<compile_context>
chip_gen: v7x
topology: tpu7x:2x2x1
jax: 0.10.2.dev20260603
libtpu: 0.0.44.dev20260713+nightly
codegen_flags: <defaults>
</compile_context>

<pallas_src>
import functools

import jax
import jax.numpy as jnp
from jax import lax
from jax.experimental import pallas as pl
from jax.experimental.pallas import tpu as pltpu
from jax.experimental.pallas import tpu_sc as plsc

Nc = 128
Ns = 2048
Nx = 256
Nz = 512
B = 4
K = 1
NB = B * K
NR = Nx * Nz
NCOL = Ns * Nc
NW = 32
RPW = NR // NW
CH = 2048


def _sc_spmm(rf, vals, rows, cols, bounds):
    mesh = plsc.VectorSubcoreMesh(
        core_axis_name="c", subcore_axis_name="s", num_cores=2)

    @functools.partial(
        pl.kernel,
        out_type=jax.ShapeDtypeStruct((NR * NB,), jnp.float32),
        mesh=mesh,
        scratch_types=[
            pltpu.VMEM((CH,), jnp.int32),
            pltpu.VMEM((CH,), jnp.int32),
            pltpu.VMEM((CH,), jnp.int32),
            pltpu.VMEM((CH,), jnp.int32),
            pltpu.VMEM((CH,), jnp.float32),
            pltpu.VMEM((CH,), jnp.float32),
            pltpu.VMEM((CH, 16), jnp.float32),
            pltpu.VMEM((CH, 16), jnp.float32),
            pltpu.VMEM((RPW * NB,), jnp.float32),
            pltpu.VMEM((NW, 16), jnp.int32),
            pltpu.SemaphoreType.DMA,
            pltpu.SemaphoreType.DMA,
            pltpu.SemaphoreType.DMA,
            pltpu.SemaphoreType.DMA,
            pltpu.SemaphoreType.DMA,
            pltpu.SemaphoreType.DMA,
            pltpu.SemaphoreType.DMA,
            pltpu.SemaphoreType.DMA,
        ],
        compiler_params=pltpu.CompilerParams(
            use_tc_tiling_on_sc=False, needs_layout_passes=False),
    )
    def k(rf_h, vals_h, rows_h, cols_h, bounds_h, out_h,
          colv0, colv1, rowv0, rowv1, valv0, valv1, gath0, gath1,
          acc, bsm, cs0, cs1, rs0, rs1, vs0, vs1, gs0, gs1):
        colv = (colv0, colv1)
        rowv = (rowv0, rowv1)
        valv = (valv0, valv1)
        gath = (gath0, gath1)
        cs = (cs0, cs1)
        rs = (rs0, rs1)
        vs = (vs0, vs1)
        gs = (gs0, gs1)

        cid = lax.axis_index("c")
        sid = lax.axis_index("s")
        wid = sid * 2 + cid
        lo = wid * RPW

        zeros = jnp.zeros((16,), jnp.float32)

        def zbody(i, _):
            acc[pl.ds(i * 16, 16)] = zeros
            return 0

        lax.fori_loop(0, RPW * NB // 16, zbody, 0)

        pltpu.sync_copy(bounds_h, bsm)
        bvec = bsm[wid, :]
        start = bvec[0]
        end = bvec[1]
        base0 = (start // CH) * CH
        nch = (end - base0 + CH - 1) // CH

        qdiv = lax.iota(jnp.int32, 16) // 4
        jlane = lax.iota(jnp.int32, 16) % 4

        def cbase(ci):
            return base0 + ci * CH

        @pl.when(nch > 0)
        def _():
            pltpu.async_copy(cols_h.at[pl.ds(cbase(0), CH)], colv[0], cs[0])
            pltpu.async_copy(vals_h.at[pl.ds(cbase(0), CH)], valv[0], vs[0])
            pltpu.async_copy(rows_h.at[pl.ds(cbase(0), CH)], rowv[0], rs[0])

        @pl.when(nch > 1)
        def _():
            pltpu.async_copy(cols_h.at[pl.ds(cbase(1), CH)], colv[1], cs[1])

        @pl.when(nch > 0)
        def _():
            pltpu.make_async_copy(
                cols_h.at[pl.ds(cbase(0), CH)], colv[0], cs[0]).wait()
            pltpu.async_copy(rf_h.at[colv[0]], gath[0], gs[0])

        def pair(p, _):
            for b in (0, 1):
                nb = 1 - b
                ci = p * 2 + b

                @pl.when(ci + 1 < nch)
                def _():
                    pltpu.make_async_copy(
                        cols_h.at[pl.ds(cbase(ci + 1), CH)],
                        colv[nb], cs[nb]).wait()
                    pltpu.async_copy(rf_h.at[colv[nb]], gath[nb], gs[nb])
                    pltpu.async_copy(
                        vals_h.at[pl.ds(cbase(ci + 1), CH)], valv[nb], vs[nb])
                    pltpu.async_copy(
                        rows_h.at[pl.ds(cbase(ci + 1), CH)], rowv[nb], rs[nb])

                @pl.when(ci < nch)
                def _():
                    pltpu.make_async_copy(
                        rf_h.at[colv[b]], gath[b], gs[b]).wait()

                @pl.when(ci + 2 < nch)
                def _():
                    pltpu.async_copy(
                        cols_h.at[pl.ds(cbase(ci + 2), CH)], colv[b], cs[b])

                @pl.when(ci < nch)
                def _():
                    pltpu.make_async_copy(
                        vals_h.at[pl.ds(cbase(ci), CH)], valv[b], vs[b]).wait()
                    pltpu.make_async_copy(
                        rows_h.at[pl.ds(cbase(ci), CH)], rowv[b], rs[b]).wait()

                    @plsc.parallel_loop(0, CH // 4, 1, unroll=8)
                    def grp(g):
                        idx4 = g * 4 + qdiv
                        v = plsc.load_gather(valv[b], [idx4])
                        r = plsc.load_gather(rowv[b], [idx4])
                        gv = plsc.load_gather(gath[b], [idx4, jlane])
                        rrel = r - lo
                        m = plsc.bitcast(rrel, jnp.uint32) < jnp.uint32(RPW)
                        oi = rrel * NB + jlane
                        plsc.addupdate_scatter(acc, [oi], v * gv, mask=m)

            return 0

        lax.fori_loop(0, (nch + 1) // 2, pair, 0)
        pltpu.sync_copy(acc, out_h.at[pl.ds(lo * NB, RPW * NB)])

    return k(rf, vals, rows, cols, bounds)


def _partition_bounds(rows):
    edges = jnp.arange(0, NR + 1, RPW, dtype=jnp.int32)[:, None]
    s1 = rows[::256]
    s2 = s1[::256]
    p2 = (s2[None, :] < edges).sum(1, dtype=jnp.int32)
    st1 = jnp.maximum(p2 - 1, 0) * 256
    w1 = s1[st1[:, None] + jnp.arange(256, dtype=jnp.int32)[None, :]]
    p1 = st1 + (w1 < edges).sum(1, dtype=jnp.int32)
    st0 = jnp.maximum(p1 - 1, 0) * 256
    w0 = rows[st0[:, None] + jnp.arange(256, dtype=jnp.int32)[None, :]]
    return (st0 + (w0 < edges).sum(1, dtype=jnp.int32)).astype(jnp.int32)


def kernel(x, vals, rows, cols):
    rf = jnp.transpose(x.reshape(NB, Nc, Ns), (2, 1, 0)).reshape(NCOL, NB)
    rf = jnp.pad(rf, ((0, 0), (0, 16 - NB)))
    b = _partition_bounds(rows)
    bounds = jnp.zeros((NW, 16), jnp.int32)
    bounds = bounds.at[:, 0].set(b[:NW]).at[:, 1].set(b[1:])
    img = _sc_spmm(rf, vals, rows, cols, bounds).reshape(NR, NB)
    return jnp.transpose(img.T.reshape(B, K, Nx, Nz), (0, 1, 3, 2))

# --- scband reference (transcript-rebuilt; emitter-appended) ---
"""Pipeline reference for scband-sparse-bmfrm-62809601737271 (READ-ONLY COPY).

The authoritative reference and input builder live on the scoring server;
editing this copy changes nothing except your own understanding.
"""

import jax, jax.numpy as jnp
import numpy as np

# Ultrasound beamforming dims (module reads these from Data_Tensor.mat; fixed here)
Nc = 128    # channels
Ns = 2048   # time samples per channel
Nx = 256    # lateral image pixels
Nz = 512    # axial image pixels
B = 4       # batch_size
K = 1       # kernel_in
NNZ = 8388608  # ~64 nonzeros per image pixel row (sparse delay-and-sum matrix)
N_ROWS = Nx * Nz      # 131072
N_COLS = Ns * Nc      # 262144


def setup_inputs(seed: int = 0) -> dict:
    key = jax.random.key(seed)
    k1, k2, k3, k4 = jax.random.split(key, 4)
    x = jax.random.normal(k1, (B, K, Nc, Ns), dtype=jnp.float32)
    # sparse CSR beamforming matrix materialized as sorted COO (rows sorted = CSR order)
    rows = jnp.sort(jax.random.randint(k2, (NNZ,), 0, N_ROWS, dtype=jnp.int32))
    cols = jax.random.randint(k3, (NNZ,), 0, N_COLS, dtype=jnp.int32)
    vals = jax.random.normal(k4, (NNZ,), dtype=jnp.float32) * 0.01
    return {"x": x, "vals": vals, "rows": rows, "cols": cols}


def reference(x, vals, rows, cols):
    # batch_rf_vec = t(reshape(permute(x,(0,1,3,2)), (B*K, Ns*Nc)))  -> [Ns*Nc, B*K]
    rf = jnp.transpose(x, (0, 1, 3, 2)).reshape(B * K, Ns * Nc)
    rf_t = rf.T  # [Ns*Nc, B*K]
    # batch_img_vec = csr_mat @ rf_t  (sparse matmul as gather + segment-sum scatter-add)
    gathered = jnp.take(rf_t, cols, axis=0)          # [NNZ, B*K]
    contrib = vals[:, None] * gathered               # [NNZ, B*K]
    img = jax.ops.segment_sum(contrib, rows, num_segments=N_ROWS)  # [Nx*Nz, B*K]
    # permute(reshape(t(img), (B, K, Nx, Nz)), (0,1,3,2)) -> [B, K, Nz, Nx]
    out = jnp.transpose(img.T.reshape(B, K, Nx, Nz), (0, 1, 3, 2))
    return out

if __name__ == "__main__":
    import jax
    _d = setup_inputs()
    print(jax.jit(kernel)(*tuple(_d.values())))

</pallas_src>

<mosaic_0001>
#map = affine_map<(d0, d1) -> (0, 0)>
#map1 = affine_map<(d0, d1) -> (0)>
module attributes {stable_mosaic.version = 14 : i64} {
  func.func @k(%arg0: i32, %arg1: i32, %arg2: memref<262144x16xf32, #tpu.memory_space<hbm>>, %arg3: memref<8388608xf32, #tpu.memory_space<hbm>>, %arg4: memref<8388608xi32, #tpu.memory_space<hbm>>, %arg5: memref<8388608xi32, #tpu.memory_space<hbm>>, %arg6: memref<32x16xi32, #tpu.memory_space<hbm>>, %arg7: memref<524288xf32, #tpu.memory_space<hbm>>, %arg8: memref<2048xi32, #tpu.memory_space<vmem>>, %arg9: memref<2048xi32, #tpu.memory_space<vmem>>, %arg10: memref<2048xi32, #tpu.memory_space<vmem>>, %arg11: memref<2048xi32, #tpu.memory_space<vmem>>, %arg12: memref<2048xf32, #tpu.memory_space<vmem>>, %arg13: memref<2048xf32, #tpu.memory_space<vmem>>, %arg14: memref<2048x16xf32, #tpu.memory_space<vmem>>, %arg15: memref<2048x16xf32, #tpu.memory_space<vmem>>, %arg16: memref<16384xf32, #tpu.memory_space<vmem>>, %arg17: memref<32x16xi32, #tpu.memory_space<vmem>>, %arg18: memref<!tpu.dma_semaphore, #tpu.memory_space<semaphore_mem>>, %arg19: memref<!tpu.dma_semaphore, #tpu.memory_space<semaphore_mem>>, %arg20: memref<!tpu.dma_semaphore, #tpu.memory_space<semaphore_mem>>, %arg21: memref<!tpu.dma_semaphore, #tpu.memory_space<semaphore_mem>>, %arg22: memref<!tpu.dma_semaphore, #tpu.memory_space<semaphore_mem>>, %arg23: memref<!tpu.dma_semaphore, #tpu.memory_space<semaphore_mem>>, %arg24: memref<!tpu.dma_semaphore, #tpu.memory_space<semaphore_mem>>, %arg25: memref<!tpu.dma_semaphore, #tpu.memory_space<semaphore_mem>>) attributes {dimension_semantics = [#tpu.dimension_semantics<core_parallel>, #tpu.dimension_semantics<subcore_parallel>], iteration_bounds = array<i64: 2, 16>, scalar_prefetch = 0 : i64, scratch_operands = 18 : i64, tpu.core_type = #tpu.core_type<sc_vector_subcore>, window_params = [{transform_indices = #map}, {transform_indices = #map1}, {transform_indices = #map1}, {transform_indices = #map1}, {transform_indices = #map}, {transform_indices = #map1}]} {
    %mul3A = arith.constant 2 : i32
    %mul3A_0 = arith.muli %arg1, %mul3A : i32
    %add3A = arith.addi %mul3A_0, %arg0 : i32
    %mul3A_1 = arith.constant 4096 : i32
    %mul3A_2 = arith.muli %add3A, %mul3A_1 : i32
    %broadcast_in_dim3A = arith.constant 0.000000e+00 : f32
    %broadcast_in_dim3A_3 = vector.broadcast %broadcast_in_dim3A : f32 to vector<16xf32>
    %scan3A = arith.constant 0 : i32
    %scan3A_4 = arith.constant 0 : i32
    %scan3A_5 = arith.constant 1024 : i32
    %scan3A_6 = arith.addi %scan3A_4, %scan3A_5 : i32
    %scan3A_7 = arith.constant 1 : i32
    %scan3A_8 = scf.for %scan3A_164 = %scan3A_4 to %scan3A_6 step %scan3A_7 iter_args(%scan3A_165 = %scan3A) -> (i32)  : i32 {
      %mul3A_166 = arith.constant 16 : i32
      %mul3A_167 = arith.muli %scan3A_164, %mul3A_166 : i32
      %swap3A = arith.index_cast %mul3A_167 : i32 to index
      %swap3A_168 = tpu.vector_load %arg16[%swap3A] {strides = array<i32>} : memref<16384xf32, #tpu.memory_space<vmem>>, vector<16xf32>,
      tpu.vector_store %arg16[%swap3A], %broadcast_in_dim3A_3 {strides = array<i32>} : memref<16384xf32, #tpu.memory_space<vmem>>, vector<16xf32>,
      %scan3A_169 = arith.constant 0 : i32
      scf.yield %scan3A_169 : i32
    }
    %scan3A_9 = arith.constant 1024 : i32
    "tpu.region"() ({
      %run_scoped3A = tpu.sem_alloc : memref<!tpu.dma_semaphore, #tpu.memory_space<semaphore_mem>>
      tpu.enqueue_dma source(%arg6 : memref<32x16xi32, #tpu.memory_space<hbm>>) target(%arg17 : memref<32x16xi32, #tpu.memory_space<vmem>>) target_semaphore(%run_scoped3A : memref<!tpu.dma_semaphore, #tpu.memory_space<semaphore_mem>>)
      tpu.wait_dma2 semaphore(%run_scoped3A : memref<!tpu.dma_semaphore, #tpu.memory_space<semaphore_mem>>) src(%arg6 : memref<32x16xi32, #tpu.memory_space<hbm>>) dst(%arg17 : memref<32x16xi32, #tpu.memory_space<vmem>>)
      tpu.yield
    }) : () -> ()
    %get3A = arith.index_cast %add3A : i32 to index
    %get3A_10 = arith.constant 0 : index
    %get3A_11 = tpu.vector_load %arg17[%get3A, %get3A_10] {strides = array<i32>} : memref<32x16xi32, #tpu.memory_space<vmem>>, vector<16xi32>,
    %slice3A = vector.extract_strided_slice %get3A_11 {offsets = [0], sizes = [1], strides = [1]} : vector<16xi32> to vector<1xi32>
    %squeeze3A = vector.extract %slice3A[0] : i32 from vector<1xi32>
    %slice3A_12 = vector.extract_strided_slice %get3A_11 {offsets = [1], sizes = [1], strides = [1]} : vector<16xi32> to vector<1xi32>
    %squeeze3A_13 = vector.extract %slice3A_12[0] : i32 from vector<1xi32>
    %jit3A = arith.constant 2048 : i32
    %div3A = arith.divsi %squeeze3A, %jit3A : i32
    %sign3A = arith.constant 0 : i32
    %sign3A_14 = arith.cmpi sgt, %squeeze3A, %sign3A : i32
    %sign3A_15 = arith.extui %sign3A_14 : i1 to i32
    %sign3A_16 = arith.constant 0 : i32
    %sign3A_17 = arith.cmpi slt, %squeeze3A, %sign3A_16 : i32
    %sign3A_18 = arith.extui %sign3A_17 : i1 to i32
    %sign3A_19 = arith.subi %sign3A_15, %sign3A_18 : i32
    %sign3A_20 = arith.constant 0 : i32
    %sign3A_21 = arith.cmpi sgt, %jit3A, %sign3A_20 : i32
    %sign3A_22 = arith.extui %sign3A_21 : i1 to i32
    %sign3A_23 = arith.constant 0 : i32
    %sign3A_24 = arith.cmpi slt, %jit3A, %sign3A_23 : i32
    %sign3A_25 = arith.extui %sign3A_24 : i1 to i32
    %sign3A_26 = arith.subi %sign3A_22, %sign3A_25 : i32
    %ne3A = arith.cmpi ne, %sign3A_19, %sign3A_26 : i32
    %rem3A = arith.remsi %squeeze3A, %jit3A : i32
    %ne3A_27 = arith.constant 0 : i32
    %ne3A_28 = arith.cmpi ne, %rem3A, %ne3A_27 : i32
    %and3A = arith.andi %ne3A, %ne3A_28 : i1
    %sub3A = arith.constant 1 : i32
    %sub3A_29 = arith.subi %div3A, %sub3A : i32
    %select_n3A = arith.select %and3A, %sub3A_29, %div3A : i32
    %mul3A_30 = arith.constant 2048 : i32
    %mul3A_31 = arith.muli %select_n3A, %mul3A_30 : i32
    %sub3A_32 = arith.subi %squeeze3A_13, %mul3A_31 : i32
    %add3A_33 = arith.constant 2048 : i32
    %add3A_34 = arith.addi %sub3A_32, %add3A_33 : i32
    %sub3A_35 = arith.constant 1 : i32
    %sub3A_36 = arith.subi %add3A_34, %sub3A_35 : i32
    %jit3A_37 = arith.constant 2048 : i32
    %div3A_38 = arith.divsi %sub3A_36, %jit3A_37 : i32
    %sign3A_39 = arith.constant 0 : i32
    %sign3A_40 = arith.cmpi sgt, %sub3A_36, %sign3A_39 : i32
    %sign3A_41 = arith.extui %sign3A_40 : i1 to i32
    %sign3A_42 = arith.constant 0 : i32
    %sign3A_43 = arith.cmpi slt, %sub3A_36, %sign3A_42 : i32
    %sign3A_44 = arith.extui %sign3A_43 : i1 to i32
    %sign3A_45 = arith.subi %sign3A_41, %sign3A_44 : i32
    %sign3A_46 = arith.constant 0 : i32
    %sign3A_47 = arith.cmpi sgt, %jit3A_37, %sign3A_46 : i32
    %sign3A_48 = arith.extui %sign3A_47 : i1 to i32
    %sign3A_49 = arith.constant 0 : i32
    %sign3A_50 = arith.cmpi slt, %jit3A_37, %sign3A_49 : i32
    %sign3A_51 = arith.extui %sign3A_50 : i1 to i32
    %sign3A_52 = arith.subi %sign3A_48, %sign3A_51 : i32
    %ne3A_53 = arith.cmpi ne, %sign3A_45, %sign3A_52 : i32
    %rem3A_54 = arith.remsi %sub3A_36, %jit3A_37 : i32
    %ne3A_55 = arith.constant 0 : i32
    %ne3A_56 = arith.cmpi ne, %rem3A_54, %ne3A_55 : i32
    %and3A_57 = arith.andi %ne3A_53, %ne3A_56 : i1
    %sub3A_58 = arith.constant 1 : i32
    %sub3A_59 = arith.subi %div3A_38, %sub3A_58 : i32
    %select_n3A_60 = arith.select %and3A_57, %sub3A_59, %div3A_38 : i32
    %iota3A = tpu.iota {dimensions = array<i32: 0>} : vector<16xi32>
    %jit3A_61 = arith.constant 4 : i32
    %div3A_62 = vector.broadcast %jit3A_61 : i32 to vector<16xi32>
    %div3A_63 = arith.divsi %iota3A, %div3A_62 : vector<16xi32>
    %sign3A_64 = arith.constant 0 : i32
    %sign3A_65 = vector.broadcast %sign3A_64 : i32 to vector<16xi32>
    %sign3A_66 = arith.cmpi sgt, %iota3A, %sign3A_65 : vector<16xi32>
    %sign3A_67 = arith.extui %sign3A_66 : vector<16xi1> to vector<16xi32>
    %sign3A_68 = arith.constant 0 : i32
    %sign3A_69 = vector.broadcast %sign3A_68 : i32 to vector<16xi32>
    %sign3A_70 = arith.cmpi slt, %iota3A, %sign3A_69 : vector<16xi32>
    %sign3A_71 = arith.extui %sign3A_70 : vector<16xi1> to vector<16xi32>
    %sign3A_72 = arith.subi %sign3A_67, %sign3A_71 : vector<16xi32>
    %sign3A_73 = arith.constant 0 : i32
    %sign3A_74 = arith.cmpi sgt, %jit3A_61, %sign3A_73 : i32
    %sign3A_75 = arith.extui %sign3A_74 : i1 to i32
    %sign3A_76 = arith.constant 0 : i32
    %sign3A_77 = arith.cmpi slt, %jit3A_61, %sign3A_76 : i32
    %sign3A_78 = arith.extui %sign3A_77 : i1 to i32
    %sign3A_79 = arith.subi %sign3A_75, %sign3A_78 : i32
    %ne3A_80 = vector.broadcast %sign3A_79 : i32 to vector<16xi32>
    %ne3A_81 = arith.cmpi ne, %sign3A_72, %ne3A_80 : vector<16xi32>
    %rem3A_82 = vector.broadcast %jit3A_61 : i32 to vector<16xi32>
    %rem3A_83 = arith.remsi %iota3A, %rem3A_82 : vector<16xi32>
    %ne3A_84 = arith.constant 0 : i32
    %ne3A_85 = vector.broadcast %ne3A_84 : i32 to vector<16xi32>
    %ne3A_86 = arith.cmpi ne, %rem3A_83, %ne3A_85 : vector<16xi32>
    %and3A_87 = arith.andi %ne3A_81, %ne3A_86 : vector<16xi1>
    %sub3A_88 = arith.constant 1 : i32
    %sub3A_89 = vector.broadcast %sub3A_88 : i32 to vector<16xi32>
    %sub3A_90 = arith.subi %div3A_63, %sub3A_89 : vector<16xi32>
    %select_n3A_91 = arith.select %and3A_87, %sub3A_90, %div3A_63 : vector<16xi1>, vector<16xi32>
    %iota3A_92 = tpu.iota {dimensions = array<i32: 0>} : vector<16xi32>
    %jit3A_93 = arith.constant 4 : i32
    %eq3A = arith.constant 0 : i32
    %eq3A_94 = arith.cmpi eq, %jit3A_93, %eq3A : i32
    %jit3A_95 = arith.constant 1 : i32
    %select_n3A_96 = arith.select %eq3A_94, %jit3A_95, %jit3A_93 : i32
    %rem3A_97 = vector.broadcast %select_n3A_96 : i32 to vector<16xi32>
    %rem3A_98 = arith.remsi %iota3A_92, %rem3A_97 : vector<16xi32>
    %ne3A_99 = arith.constant 0 : i32
    %ne3A_100 = vector.broadcast %ne3A_99 : i32 to vector<16xi32>
    %ne3A_101 = arith.cmpi ne, %rem3A_98, %ne3A_100 : vector<16xi32>
    %lt3A = arith.constant 0 : i32
    %lt3A_102 = vector.broadcast %lt3A : i32 to vector<16xi32>
    %lt3A_103 = arith.cmpi slt, %rem3A_98, %lt3A_102 : vector<16xi32>
    %lt3A_104 = arith.constant 0 : i32
    %lt3A_105 = arith.cmpi slt, %select_n3A_96, %lt3A_104 : i32
    %ne3A_106 = vector.broadcast %lt3A_105 : i1 to vector<16xi1>
    %ne3A_107 = vector.broadcast %ne3A_106 : vector<16xi1> to vector<16xi1>
    %ne3A_108 = arith.xori %lt3A_103, %ne3A_107 : vector<16xi1>
    %and3A_109 = arith.andi %ne3A_108, %ne3A_101 : vector<16xi1>
    %add3A_110 = vector.broadcast %select_n3A_96 : i32 to vector<16xi32>
    %add3A_111 = arith.addi %rem3A_98, %add3A_110 : vector<16xi32>
    %select_n3A_112 = arith.select %and3A_109, %add3A_111, %rem3A_98 : vector<16xi1>, vector<16xi32>
    %gt3A = arith.constant 0 : i32
    %gt3A_113 = arith.cmpi sgt, %select_n3A_60, %gt3A : i32
    %convert_element_type3A = arith.extui %gt3A_113 : i1 to i32
    %cond3A = arith.constant 0 : i32
    %cond3A_114 = arith.cmpi ne, %convert_element_type3A, %cond3A : i32
    scf.if %cond3A_114 {
      %add3A_164 = arith.constant 0 : i32
      %add3A_165 = arith.addi %mul3A_31, %add3A_164 : i32
      %dma_start3A = tpu.memref_slice %arg5[%add3A_165] : memref<8388608xi32, #tpu.memory_space<hbm>> -> memref<2048xi32, #tpu.memory_space<hbm>>
      %dma_start3A_166 = tpu.memref_slice %arg5[%add3A_165] : memref<8388608xi32, #tpu.memory_space<hbm>> -> memref<2048xi32, #tpu.memory_space<hbm>>
      tpu.enqueue_dma source(%dma_start3A_166 : memref<2048xi32, #tpu.memory_space<hbm>>) target(%arg8 : memref<2048xi32, #tpu.memory_space<vmem>>) target_semaphore(%arg18 : memref<!tpu.dma_semaphore, #tpu.memory_space<semaphore_mem>>)
      %add3A_167 = arith.constant 0 : i32
      %add3A_168 = arith.addi %mul3A_31, %add3A_167 : i32
      %dma_start3A_169 = tpu.memref_slice %arg3[%add3A_168] : memref<8388608xf32, #tpu.memory_space<hbm>> -> memref<2048xf32, #tpu.memory_space<hbm>>
      %dma_start3A_170 = tpu.memref_slice %arg3[%add3A_168] : memref<8388608xf32, #tpu.memory_space<hbm>> -> memref<2048xf32, #tpu.memory_space<hbm>>
      tpu.enqueue_dma source(%dma_start3A_170 : memref<2048xf32, #tpu.memory_space<hbm>>) target(%arg12 : memref<2048xf32, #tpu.memory_space<vmem>>) target_semaphore(%arg22 : memref<!tpu.dma_semaphore, #tpu.memory_space<semaphore_mem>>)
      %add3A_171 = arith.constant 0 : i32
      %add3A_172 = arith.addi %mul3A_31, %add3A_171 : i32
      %dma_start3A_173 = tpu.memref_slice %arg4[%add3A_172] : memref<8388608xi32, #tpu.memory_space<hbm>> -> memref<2048xi32, #tpu.memory_space<hbm>>
      %dma_start3A_174 = tpu.memref_slice %arg4[%add3A_172] : memref<8388608xi32, #tpu.memory_space<hbm>> -> memref<2048xi32, #tpu.memory_space<hbm>>
      tpu.enqueue_dma source(%dma_start3A_174 : memref<2048xi32, #tpu.memory_space<hbm>>) target(%arg10 : memref<2048xi32, #tpu.memory_space<vmem>>) target_semaphore(%arg20 : memref<!tpu.dma_semaphore, #tpu.memory_space<semaphore_mem>>)
    } else {
    }
    %gt3A_115 = arith.constant 1 : i32
    %gt3A_116 = arith.cmpi sgt, %select_n3A_60, %gt3A_115 : i32
    %convert_element_type3A_117 = arith.extui %gt3A_116 : i1 to i32
    %cond3A_118 = arith.constant 0 : i32
    %cond3A_119 = arith.cmpi ne, %convert_element_type3A_117, %cond3A_118 : i32
    scf.if %cond3A_119 {
      %add3A_164 = arith.constant 2048 : i32
      %add3A_165 = arith.addi %mul3A_31, %add3A_164 : i32
      %dma_start3A = tpu.memref_slice %arg5[%add3A_165] : memref<8388608xi32, #tpu.memory_space<hbm>> -> memref<2048xi32, #tpu.memory_space<hbm>>
      %dma_start3A_166 = tpu.memref_slice %arg5[%add3A_165] : memref<8388608xi32, #tpu.memory_space<hbm>> -> memref<2048xi32, #tpu.memory_space<hbm>>
      tpu.enqueue_dma source(%dma_start3A_166 : memref<2048xi32, #tpu.memory_space<hbm>>) target(%arg9 : memref<2048xi32, #tpu.memory_space<vmem>>) target_semaphore(%arg19 : memref<!tpu.dma_semaphore, #tpu.memory_space<semaphore_mem>>)
    } else {
    }
    %gt3A_120 = arith.constant 0 : i32
    %gt3A_121 = arith.cmpi sgt, %select_n3A_60, %gt3A_120 : i32
    %convert_element_type3A_122 = arith.extui %gt3A_121 : i1 to i32
    %cond3A_123 = arith.constant 0 : i32
    %cond3A_124 = arith.cmpi ne, %convert_element_type3A_122, %cond3A_123 : i32
    scf.if %cond3A_124 {
      %add3A_164 = arith.constant 0 : i32
      %add3A_165 = arith.addi %mul3A_31, %add3A_164 : i32
      %dma_wait3A = tpu.memref_slice %arg5[%add3A_165] : memref<8388608xi32, #tpu.memory_space<hbm>> -> memref<2048xi32, #tpu.memory_space<hbm>>
      %dma_wait3A_166 = tpu.memref_slice %arg5[%add3A_165] : memref<8388608xi32, #tpu.memory_space<hbm>> -> memref<2048xi32, #tpu.memory_space<hbm>>
      tpu.wait_dma2 semaphore(%arg18 : memref<!tpu.dma_semaphore, #tpu.memory_space<semaphore_mem>>) src(%dma_wait3A_166 : memref<2048xi32, #tpu.memory_space<hbm>>) dst(%arg8 : memref<2048xi32, #tpu.memory_space<vmem>>)
      %dma_start3A = arith.constant 0 : i32
      %dma_start3A_167 = arith.constant 0 : i32
      %dma_start3A_168 = tpu.memref_slice %arg2[%dma_start3A, %dma_start3A_167] : memref<262144x16xf32, #tpu.memory_space<hbm>> -> memref<262144x16xf32, #tpu.memory_space<hbm>>
      tpu.enqueue_indirect_dma source(%dma_start3A_168 : memref<262144x16xf32, #tpu.memory_space<hbm>>) target(%arg14 : memref<2048x16xf32, #tpu.memory_space<vmem>>) offsets(%arg8 : memref<2048xi32, #tpu.memory_space<vmem>>) semaphore(%arg24 : memref<!tpu.dma_semaphore, #tpu.memory_space<semaphore_mem>>)
    } else {
    }
    %add3A_125 = arith.constant 1 : i32
    %add3A_126 = arith.addi %select_n3A_60, %add3A_125 : i32
    %jit3A_127 = arith.constant 2 : i32
    %div3A_128 = arith.divsi %add3A_126, %jit3A_127 : i32
    %sign3A_129 = arith.constant 0 : i32
    %sign3A_130 = arith.cmpi sgt, %add3A_126, %sign3A_129 : i32
    %sign3A_131 = arith.extui %sign3A_130 : i1 to i32
    %sign3A_132 = arith.constant 0 : i32
    %sign3A_133 = arith.cmpi slt, %add3A_126, %sign3A_132 : i32
    %sign3A_134 = arith.extui %sign3A_133 : i1 to i32
    %sign3A_135 = arith.subi %sign3A_131, %sign3A_134 : i32
    %sign3A_136 = arith.constant 0 : i32
    %sign3A_137 = arith.cmpi sgt, %jit3A_127, %sign3A_136 : i32
    %sign3A_138 = arith.extui %sign3A_137 : i1 to i32
    %sign3A_139 = arith.constant 0 : i32
    %sign3A_140 = arith.cmpi slt, %jit3A_127, %sign3A_139 : i32
    %sign3A_141 = arith.extui %sign3A_140 : i1 to i32
    %sign3A_142 = arith.subi %sign3A_138, %sign3A_141 : i32
    %ne3A_143 = arith.cmpi ne, %sign3A_135, %sign3A_142 : i32
    %rem3A_144 = arith.remsi %add3A_126, %jit3A_127 : i32
    %ne3A_145 = arith.constant 0 : i32
    %ne3A_146 = arith.cmpi ne, %rem3A_144, %ne3A_145 : i32
    %and3A_147 = arith.andi %ne3A_143, %ne3A_146 : i1
    %sub3A_148 = arith.constant 1 : i32
    %sub3A_149 = arith.subi %div3A_128, %sub3A_148 : i32
    %select_n3A_150 = arith.select %and3A_147, %sub3A_149, %div3A_128 : i32
    %while3A = arith.constant 0 : i32
    %while3A_151 = arith.constant 0 : i32
    %while3A_152 = arith.subi %select_n3A_150, %while3A : i32
    %while3A_153 = arith.addi %while3A, %while3A_152 : i32
    %while3A_154 = arith.constant 1 : i32
    %while3A_155 = arith.divsi %while3A_152, %while3A_154 : i32
    %while3A_156 = arith.muli %while3A_155, %while3A_154 : i32
    %while3A_157 = arith.addi %while3A, %while3A_156 : i32
    %while3A_158 = arith.constant 1 : i32
    %while3A_159 = scf.for %while3A_164 = %while3A to %while3A_157 step %while3A_158 iter_args(%while3A_165 = %while3A_151) -> (i32)  : i32 {
      %mul3A_166 = arith.constant 2 : i32
      %mul3A_167 = arith.muli %while3A_164, %mul3A_166 : i32
      %add3A_168 = arith.constant 0 : i32
      %add3A_169 = arith.addi %mul3A_167, %add3A_168 : i32
      %add3A_170 = arith.constant 1 : i32
      %add3A_171 = arith.addi %add3A_169, %add3A_170 : i32
      %lt3A_172 = arith.cmpi slt, %add3A_171, %select_n3A_60 : i32
      %convert_element_type3A_173 = arith.extui %lt3A_172 : i1 to i32
      %cond3A_174 = arith.constant 0 : i32
      %cond3A_175 = arith.cmpi ne, %convert_element_type3A_173, %cond3A_174 : i32
      scf.if %cond3A_175 {
        %add3A_215 = arith.constant 1 : i32
        %add3A_216 = arith.addi %add3A_169, %add3A_215 : i32
        %mul3A_217 = arith.constant 2048 : i32
        %mul3A_218 = arith.muli %add3A_216, %mul3A_217 : i32
        %add3A_219 = arith.addi %mul3A_31, %mul3A_218 : i32
        %dma_wait3A = tpu.memref_slice %arg5[%add3A_219] : memref<8388608xi32, #tpu.memory_space<hbm>> -> memref<2048xi32, #tpu.memory_space<hbm>>
        %dma_wait3A_220 = tpu.memref_slice %arg5[%add3A_219] : memref<8388608xi32, #tpu.memory_space<hbm>> -> memref<2048xi32, #tpu.memory_space<hbm>>
        tpu.wait_dma2 semaphore(%arg19 : memref<!tpu.dma_semaphore, #tpu.memory_space<semaphore_mem>>) src(%dma_wait3A_220 : memref<2048xi32, #tpu.memory_space<hbm>>) dst(%arg9 : memref<2048xi32, #tpu.memory_space<vmem>>)
        %dma_start3A = arith.constant 0 : i32
        %dma_start3A_221 = arith.constant 0 : i32
        %dma_start3A_222 = tpu.memref_slice %arg2[%dma_start3A, %dma_start3A_221] : memref<262144x16xf32, #tpu.memory_space<hbm>> -> memref<262144x16xf32, #tpu.memory_space<hbm>>
        tpu.enqueue_indirect_dma source(%dma_start3A_222 : memref<262144x16xf32, #tpu.memory_space<hbm>>) target(%arg15 : memref<2048x16xf32, #tpu.memory_space<vmem>>) offsets(%arg9 : memref<2048xi32, #tpu.memory_space<vmem>>) semaphore(%arg25 : memref<!tpu.dma_semaphore, #tpu.memory_space<semaphore_mem>>)
        %add3A_223 = arith.constant 1 : i32
        %add3A_224 = arith.addi %add3A_169, %add3A_223 : i32
        %mul3A_225 = arith.constant 2048 : i32
        %mul3A_226 = arith.muli %add3A_224, %mul3A_225 : i32
        %add3A_227 = arith.addi %mul3A_31, %mul3A_226 : i32
        %dma_start3A_228 = tpu.memref_slice %arg3[%add3A_227] : memref<8388608xf32, #tpu.memory_space<hbm>> -> memref<2048xf32, #tpu.memory_space<hbm>>
        %dma_start3A_229 = tpu.memref_slice %arg3[%add3A_227] : memref<8388608xf32, #tpu.memory_space<hbm>> -> memref<2048xf32, #tpu.memory_space<hbm>>
        tpu.enqueue_dma source(%dma_start3A_229 : memref<2048xf32, #tpu.memory_space<hbm>>) target(%arg13 : memref<2048xf32, #tpu.memory_space<vmem>>) target_semaphore(%arg23 : memref<!tpu.dma_semaphore, #tpu.memory_space<semaphore_mem>>)
        %add3A_230 = arith.constant 1 : i32
        %add3A_231 = arith.addi %add3A_169, %add3A_230 : i32
        %mul3A_232 = arith.constant 2048 : i32
        %mul3A_233 = arith.muli %add3A_231, %mul3A_232 : i32
        %add3A_234 = arith.addi %mul3A_31, %mul3A_233 : i32
        %dma_start3A_235 = tpu.memref_slice %arg4[%add3A_234] : memref<8388608xi32, #tpu.memory_space<hbm>> -> memref<2048xi32, #tpu.memory_space<hbm>>
        %dma_start3A_236 = tpu.memref_slice %arg4[%add3A_234] : memref<8388608xi32, #tpu.memory_space<hbm>> -> memref<2048xi32, #tpu.memory_space<hbm>>
        tpu.enqueue_dma source(%dma_start3A_236 : memref<2048xi32, #tpu.memory_space<hbm>>) target(%arg11 : memref<2048xi32, #tpu.memory_space<vmem>>) target_semaphore(%arg21 : memref<!tpu.dma_semaphore, #tpu.memory_space<semaphore_mem>>)
      } else {
      }
      %lt3A_176 = arith.cmpi slt, %add3A_169, %select_n3A_60 : i32
      %convert_element_type3A_177 = arith.extui %lt3A_176 : i1 to i32
      %cond3A_178 = arith.constant 0 : i32
      %cond3A_179 = arith.cmpi ne, %convert_element_type3A_177, %cond3A_178 : i32
      scf.if %cond3A_179 {
        %dma_wait3A = arith.constant 0 : i32
        %dma_wait3A_215 = arith.constant 0 : i32
        %dma_wait3A_216 = tpu.memref_slice %arg2[%dma_wait3A, %dma_wait3A_215] : memref<262144x16xf32, #tpu.memory_space<hbm>> -> memref<262144x16xf32, #tpu.memory_space<hbm>>
        tpu.wait_indirect_dma semaphore(%arg24 : memref<!tpu.dma_semaphore, #tpu.memory_space<semaphore_mem>>) src(%dma_wait3A_216 : memref<262144x16xf32, #tpu.memory_space<hbm>>) dst(%arg14 : memref<2048x16xf32, #tpu.memory_space<vmem>>)
      } else {
      }
      %add3A_180 = arith.constant 2 : i32
      %add3A_181 = arith.addi %add3A_169, %add3A_180 : i32
      %lt3A_182 = arith.cmpi slt, %add3A_181, %select_n3A_60 : i32
      %convert_element_type3A_183 = arith.extui %lt3A_182 : i1 to i32
      %cond3A_184 = arith.constant 0 : i32
      %cond3A_185 = arith.cmpi ne, %convert_element_type3A_183, %cond3A_184 : i32
      scf.if %cond3A_185 {
        %add3A_215 = arith.constant 2 : i32
        %add3A_216 = arith.addi %add3A_169, %add3A_215 : i32
        %mul3A_217 = arith.constant 2048 : i32
        %mul3A_218 = arith.muli %add3A_216, %mul3A_217 : i32
        %add3A_219 = arith.addi %mul3A_31, %mul3A_218 : i32
        %dma_start3A = tpu.memref_slice %arg5[%add3A_219] : memref<8388608xi32, #tpu.memory_space<hbm>> -> memref<2048xi32, #tpu.memory_space<hbm>>
        %dma_start3A_220 = tpu.memref_slice %arg5[%add3A_219] : memref<8388608xi32, #tpu.memory_space<hbm>> -> memref<2048xi32, #tpu.memory_space<hbm>>
        tpu.enqueue_dma source(%dma_start3A_220 : memref<2048xi32, #tpu.memory_space<hbm>>) target(%arg8 : memref<2048xi32, #tpu.memory_space<vmem>>) target_semaphore(%arg18 : memref<!tpu.dma_semaphore, #tpu.memory_space<semaphore_mem>>)
      } else {
      }
      %lt3A_186 = arith.cmpi slt, %add3A_169, %select_n3A_60 : i32
      %convert_element_type3A_187 = arith.extui %lt3A_186 : i1 to i32
      %cond3A_188 = arith.constant 0 : i32
      %cond3A_189 = arith.cmpi ne, %convert_element_type3A_187, %cond3A_188 : i32
      scf.if %cond3A_189 {
        %mul3A_215 = arith.constant 2048 : i32
        %mul3A_216 = arith.muli %add3A_169, %mul3A_215 : i32
        %add3A_217 = arith.addi %mul3A_31, %mul3A_216 : i32
        %dma_wait3A = tpu.memref_slice %arg3[%add3A_217] : memref<8388608xf32, #tpu.memory_space<hbm>> -> memref<2048xf32, #tpu.memory_space<hbm>>
        %dma_wait3A_218 = tpu.memref_slice %arg3[%add3A_217] : memref<8388608xf32, #tpu.memory_space<hbm>> -> memref<2048xf32, #tpu.memory_space<hbm>>
        tpu.wait_dma2 semaphore(%arg22 : memref<!tpu.dma_semaphore, #tpu.memory_space<semaphore_mem>>) src(%dma_wait3A_218 : memref<2048xf32, #tpu.memory_space<hbm>>) dst(%arg12 : memref<2048xf32, #tpu.memory_space<vmem>>)
        %mul3A_219 = arith.constant 2048 : i32
        %mul3A_220 = arith.muli %add3A_169, %mul3A_219 : i32
        %add3A_221 = arith.addi %mul3A_31, %mul3A_220 : i32
        %dma_wait3A_222 = tpu.memref_slice %arg4[%add3A_221] : memref<8388608xi32, #tpu.memory_space<hbm>> -> memref<2048xi32, #tpu.memory_space<hbm>>
        %dma_wait3A_223 = tpu.memref_slice %arg4[%add3A_221] : memref<8388608xi32, #tpu.memory_space<hbm>> -> memref<2048xi32, #tpu.memory_space<hbm>>
        tpu.wait_dma2 semaphore(%arg20 : memref<!tpu.dma_semaphore, #tpu.memory_space<semaphore_mem>>) src(%dma_wait3A_223 : memref<2048xi32, #tpu.memory_space<hbm>>) dst(%arg10 : memref<2048xi32, #tpu.memory_space<vmem>>)
        %parallel_loop3A = arith.constant 0 : i32
        %parallel_loop3A_224 = arith.constant 512 : i32
        %parallel_loop3A_225 = arith.constant 1 : i32
        scf.for %parallel_loop3A_226 = %parallel_loop3A to %parallel_loop3A_224 step %parallel_loop3A_225  : i32 {
          %parallel_loop3A_227 = arith.constant 4 : i32
          %parallel_loop3A_228 = arith.muli %parallel_loop3A_226, %parallel_loop3A_227 : i32
          %parallel_loop3A_229 = vector.broadcast %parallel_loop3A_228 : i32 to vector<16xi32>
          %parallel_loop3A_230 = arith.addi %parallel_loop3A_229, %select_n3A_91 : vector<16xi32>
          %parallel_loop3A_231 = tpu.vector_load_idx %arg12[%parallel_loop3A_230] : memref<2048xf32, #tpu.memory_space<vmem>>[vector<16xi32>], vector<16xf32>,
          %parallel_loop3A_232 = tpu.vector_load_idx %arg10[%parallel_loop3A_230] : memref<2048xi32, #tpu.memory_space<vmem>>[vector<16xi32>], vector<16xi32>,
          %parallel_loop3A_233 = tpu.vector_load_idx %arg14[%parallel_loop3A_230, %select_n3A_112] : memref<2048x16xf32, #tpu.memory_space<vmem>>[vector<16xi32>, vector<16xi32>], vector<16xf32>,
          %parallel_loop3A_234 = vector.broadcast %mul3A_2 : i32 to vector<16xi32>
          %parallel_loop3A_235 = arith.subi %parallel_loop3A_232, %parallel_loop3A_234 : vector<16xi32>
          %parallel_loop3A_236 = vector.bitcast %parallel_loop3A_235 : vector<16xi32> to vector<16xi32>
          %parallel_loop3A_237 = arith.constant 4096 : i32
          %parallel_loop3A_238 = vector.broadcast %parallel_loop3A_237 : i32 to vector<16xi32>
          %parallel_loop3A_239 = arith.cmpi ult, %parallel_loop3A_236, %parallel_loop3A_238 : vector<16xi32>
          %parallel_loop3A_240 = arith.constant 4 : i32
          %parallel_loop3A_241 = vector.broadcast %parallel_loop3A_240 : i32 to vector<16xi32>
          %parallel_loop3A_242 = arith.muli %parallel_loop3A_235, %parallel_loop3A_241 : vector<16xi32>
          %parallel_loop3A_243 = arith.addi %parallel_loop3A_242, %select_n3A_112 : vector<16xi32>
          %parallel_loop3A_244 = arith.mulf %parallel_loop3A_231, %parallel_loop3A_233 : vector<16xf32>
          tpu.vector_store_idx %arg16[%parallel_loop3A_243], %parallel_loop3A_244 masked %parallel_loop3A_239 {add = true} : memref<16384xf32, #tpu.memory_space<vmem>>[vector<16xi32>], vector<16xf32>, vector<16xi1>
        } {sc.loop_unroll_factor = 8 : i64, sc.parallel_access}
      } else {
      }
      %mul3A_190 = arith.constant 2 : i32
      %mul3A_191 = arith.muli %while3A_164, %mul3A_190 : i32
      %add3A_192 = arith.constant 1 : i32
      %add3A_193 = arith.addi %mul3A_191, %add3A_192 : i32
      %add3A_194 = arith.constant 1 : i32
      %add3A_195 = arith.addi %add3A_193, %add3A_194 : i32
      %lt3A_196 = arith.cmpi slt, %add3A_195, %select_n3A_60 : i32
      %convert_element_type3A_197 = arith.extui %lt3A_196 : i1 to i32
      %cond3A_198 = arith.constant 0 : i32
      %cond3A_199 = arith.cmpi ne, %convert_element_type3A_197, %cond3A_198 : i32
      scf.if %cond3A_199 {
        %add3A_215 = arith.constant 1 : i32
        %add3A_216 = arith.addi %add3A_193, %add3A_215 : i32
        %mul3A_217 = arith.constant 2048 : i32
        %mul3A_218 = arith.muli %add3A_216, %mul3A_217 : i32
        %add3A_219 = arith.addi %mul3A_31, %mul3A_218 : i32
        %dma_wait3A = tpu.memref_slice %arg5[%add3A_219] : memref<8388608xi32, #tpu.memory_space<hbm>> -> memref<2048xi32, #tpu.memory_space<hbm>>
        %dma_wait3A_220 = tpu.memref_slice %arg5[%add3A_219] : memref<8388608xi32, #tpu.memory_space<hbm>> -> memref<2048xi32, #tpu.memory_space<hbm>>
        tpu.wait_dma2 semaphore(%arg18 : memref<!tpu.dma_semaphore, #tpu.memory_space<semaphore_mem>>) src(%dma_wait3A_220 : memref<2048xi32, #tpu.memory_space<hbm>>) dst(%arg8 : memref<2048xi32, #tpu.memory_space<vmem>>)
        %dma_start3A = arith.constant 0 : i32
        %dma_start3A_221 = arith.constant 0 : i32
        %dma_start3A_222 = tpu.memref_slice %arg2[%dma_start3A, %dma_start3A_221] : memref<262144x16xf32, #tpu.memory_space<hbm>> -> memref<262144x16xf32, #tpu.memory_space<hbm>>
        tpu.enqueue_indirect_dma source(%dma_start3A_222 : memref<262144x16xf32, #tpu.memory_space<hbm>>) target(%arg14 : memref<2048x16xf32, #tpu.memory_space<vmem>>) offsets(%arg8 : memref<2048xi32, #tpu.memory_space<vmem>>) semaphore(%arg24 : memref<!tpu.dma_semaphore, #tpu.memory_space<semaphore_mem>>)
        %add3A_223 = arith.constant 1 : i32
        %add3A_224 = arith.addi %add3A_193, %add3A_223 : i32
        %mul3A_225 = arith.constant 2048 : i32
        %mul3A_226 = arith.muli %add3A_224, %mul3A_225 : i32
        %add3A_227 = arith.addi %mul3A_31, %mul3A_226 : i32
        %dma_start3A_228 = tpu.memref_slice %arg3[%add3A_227] : memref<8388608xf32, #tpu.memory_space<hbm>> -> memref<2048xf32, #tpu.memory_space<hbm>>
        %dma_start3A_229 = tpu.memref_slice %arg3[%add3A_227] : memref<8388608xf32, #tpu.memory_space<hbm>> -> memref<2048xf32, #tpu.memory_space<hbm>>
        tpu.enqueue_dma source(%dma_start3A_229 : memref<2048xf32, #tpu.memory_space<hbm>>) target(%arg12 : memref<2048xf32, #tpu.memory_space<vmem>>) target_semaphore(%arg22 : memref<!tpu.dma_semaphore, #tpu.memory_space<semaphore_mem>>)
        %add3A_230 = arith.constant 1 : i32
        %add3A_231 = arith.addi %add3A_193, %add3A_230 : i32
        %mul3A_232 = arith.constant 2048 : i32
        %mul3A_233 = arith.muli %add3A_231, %mul3A_232 : i32
        %add3A_234 = arith.addi %mul3A_31, %mul3A_233 : i32
        %dma_start3A_235 = tpu.memref_slice %arg4[%add3A_234] : memref<8388608xi32, #tpu.memory_space<hbm>> -> memref<2048xi32, #tpu.memory_space<hbm>>
        %dma_start3A_236 = tpu.memref_slice %arg4[%add3A_234] : memref<8388608xi32, #tpu.memory_space<hbm>> -> memref<2048xi32, #tpu.memory_space<hbm>>
        tpu.enqueue_dma source(%dma_start3A_236 : memref<2048xi32, #tpu.memory_space<hbm>>) target(%arg10 : memref<2048xi32, #tpu.memory_space<vmem>>) target_semaphore(%arg20 : memref<!tpu.dma_semaphore, #tpu.memory_space<semaphore_mem>>)
      } else {
      }
      %lt3A_200 = arith.cmpi slt, %add3A_193, %select_n3A_60 : i32
      %convert_element_type3A_201 = arith.extui %lt3A_200 : i1 to i32
      %cond3A_202 = arith.constant 0 : i32
      %cond3A_203 = arith.cmpi ne, %convert_element_type3A_201, %cond3A_202 : i32
      scf.if %cond3A_203 {
        %dma_wait3A = arith.constant 0 : i32
        %dma_wait3A_215 = arith.constant 0 : i32
        %dma_wait3A_216 = tpu.memref_slice %arg2[%dma_wait3A, %dma_wait3A_215] : memref<262144x16xf32, #tpu.memory_space<hbm>> -> memref<262144x16xf32, #tpu.memory_space<hbm>>
        tpu.wait_indirect_dma semaphore(%arg25 : memref<!tpu.dma_semaphore, #tpu.memory_space<semaphore_mem>>) src(%dma_wait3A_216 : memref<262144x16xf32, #tpu.memory_space<hbm>>) dst(%arg15 : memref<2048x16xf32, #tpu.memory_space<vmem>>)
      } else {
      }
      %add3A_204 = arith.constant 2 : i32
      %add3A_205 = arith.addi %add3A_193, %add3A_204 : i32
      %lt3A_206 = arith.cmpi slt, %add3A_205, %select_n3A_60 : i32
      %convert_element_type3A_207 = arith.extui %lt3A_206 : i1 to i32
      %cond3A_208 = arith.constant 0 : i32
      %cond3A_209 = arith.cmpi ne, %convert_element_type3A_207, %cond3A_208 : i32
      scf.if %cond3A_209 {
        %add3A_215 = arith.constant 2 : i32
        %add3A_216 = arith.addi %add3A_193, %add3A_215 : i32
        %mul3A_217 = arith.constant 2048 : i32
        %mul3A_218 = arith.muli %add3A_216, %mul3A_217 : i32
        %add3A_219 = arith.addi %mul3A_31, %mul3A_218 : i32
        %dma_start3A = tpu.memref_slice %arg5[%add3A_219] : memref<8388608xi32, #tpu.memory_space<hbm>> -> memref<2048xi32, #tpu.memory_space<hbm>>
        %dma_start3A_220 = tpu.memref_slice %arg5[%add3A_219] : memref<8388608xi32, #tpu.memory_space<hbm>> -> memref<2048xi32, #tpu.memory_space<hbm>>
        tpu.enqueue_dma source(%dma_start3A_220 : memref<2048xi32, #tpu.memory_space<hbm>>) target(%arg9 : memref<2048xi32, #tpu.memory_space<vmem>>) target_semaphore(%arg19 : memref<!tpu.dma_semaphore, #tpu.memory_space<semaphore_mem>>)
      } else {
      }
      %lt3A_210 = arith.cmpi slt, %add3A_193, %select_n3A_60 : i32
      %convert_element_type3A_211 = arith.extui %lt3A_210 : i1 to i32
      %cond3A_212 = arith.constant 0 : i32
      %cond3A_213 = arith.cmpi ne, %convert_element_type3A_211, %cond3A_212 : i32
      scf.if %cond3A_213 {
        %mul3A_215 = arith.constant 2048 : i32
        %mul3A_216 = arith.muli %add3A_193, %mul3A_215 : i32
        %add3A_217 = arith.addi %mul3A_31, %mul3A_216 : i32
        %dma_wait3A = tpu.memref_slice %arg3[%add3A_217] : memref<8388608xf32, #tpu.memory_space<hbm>> -> memref<2048xf32, #tpu.memory_space<hbm>>
        %dma_wait3A_218 = tpu.memref_slice %arg3[%add3A_217] : memref<8388608xf32, #tpu.memory_space<hbm>> -> memref<2048xf32, #tpu.memory_space<hbm>>
        tpu.wait_dma2 semaphore(%arg23 : memref<!tpu.dma_semaphore, #tpu.memory_space<semaphore_mem>>) src(%dma_wait3A_218 : memref<2048xf32, #tpu.memory_space<hbm>>) dst(%arg13 : memref<2048xf32, #tpu.memory_space<vmem>>)
        %mul3A_219 = arith.constant 2048 : i32
        %mul3A_220 = arith.muli %add3A_193, %mul3A_219 : i32
        %add3A_221 = arith.addi %mul3A_31, %mul3A_220 : i32
        %dma_wait3A_222 = tpu.memref_slice %arg4[%add3A_221] : memref<8388608xi32, #tpu.memory_space<hbm>> -> memref<2048xi32, #tpu.memory_space<hbm>>
        %dma_wait3A_223 = tpu.memref_slice %arg4[%add3A_221] : memref<8388608xi32, #tpu.memory_space<hbm>> -> memref<2048xi32, #tpu.memory_space<hbm>>
        tpu.wait_dma2 semaphore(%arg21 : memref<!tpu.dma_semaphore, #tpu.memory_space<semaphore_mem>>) src(%dma_wait3A_223 : memref<2048xi32, #tpu.memory_space<hbm>>) dst(%arg11 : memref<2048xi32, #tpu.memory_space<vmem>>)
        %parallel_loop3A = arith.constant 0 : i32
        %parallel_loop3A_224 = arith.constant 512 : i32
        %parallel_loop3A_225 = arith.constant 1 : i32
        scf.for %parallel_loop3A_226 = %parallel_loop3A to %parallel_loop3A_224 step %parallel_loop3A_225  : i32 {
          %parallel_loop3A_227 = arith.constant 4 : i32
          %parallel_loop3A_228 = arith.muli %parallel_loop3A_226, %parallel_loop3A_227 : i32
          %parallel_loop3A_229 = vector.broadcast %parallel_loop3A_228 : i32 to vector<16xi32>
          %parallel_loop3A_230 = arith.addi %parallel_loop3A_229, %select_n3A_91 : vector<16xi32>
          %parallel_loop3A_231 = tpu.vector_load_idx %arg13[%parallel_loop3A_230] : memref<2048xf32, #tpu.memory_space<vmem>>[vector<16xi32>], vector<16xf32>,
          %parallel_loop3A_232 = tpu.vector_load_idx %arg11[%parallel_loop3A_230] : memref<2048xi32, #tpu.memory_space<vmem>>[vector<16xi32>], vector<16xi32>,
          %parallel_loop3A_233 = tpu.vector_load_idx %arg15[%parallel_loop3A_230, %select_n3A_112] : memref<2048x16xf32, #tpu.memory_space<vmem>>[vector<16xi32>, vector<16xi32>], vector<16xf32>,
          %parallel_loop3A_234 = vector.broadcast %mul3A_2 : i32 to vector<16xi32>
          %parallel_loop3A_235 = arith.subi %parallel_loop3A_232, %parallel_loop3A_234 : vector<16xi32>
          %parallel_loop3A_236 = vector.bitcast %parallel_loop3A_235 : vector<16xi32> to vector<16xi32>
          %parallel_loop3A_237 = arith.constant 4096 : i32
          %parallel_loop3A_238 = vector.broadcast %parallel_loop3A_237 : i32 to vector<16xi32>
          %parallel_loop3A_239 = arith.cmpi ult, %parallel_loop3A_236, %parallel_loop3A_238 : vector<16xi32>
          %parallel_loop3A_240 = arith.constant 4 : i32
          %parallel_loop3A_241 = vector.broadcast %parallel_loop3A_240 : i32 to vector<16xi32>
          %parallel_loop3A_242 = arith.muli %parallel_loop3A_235, %parallel_loop3A_241 : vector<16xi32>
          %parallel_loop3A_243 = arith.addi %parallel_loop3A_242, %select_n3A_112 : vector<16xi32>
          %parallel_loop3A_244 = arith.mulf %parallel_loop3A_231, %parallel_loop3A_233 : vector<16xf32>
          tpu.vector_store_idx %arg16[%parallel_loop3A_243], %parallel_loop3A_244 masked %parallel_loop3A_239 {add = true} : memref<16384xf32, #tpu.memory_space<vmem>>[vector<16xi32>], vector<16xf32>, vector<16xi1>
        } {sc.loop_unroll_factor = 8 : i64, sc.parallel_access}
      } else {
      }
      %while3A_214 = arith.constant 0 : i32
      scf.yield %while3A_214 : i32
    }
    %while3A_160 = arith.constant 1 : i32
    %while3A_161 = scf.for %while3A_164 = %while3A_157 to %while3A_153 step %while3A_160 iter_args(%while3A_165 = %while3A_159) -> (i32)  : i32 {
      %mul3A_166 = arith.constant 2 : i32
      %mul3A_167 = arith.muli %while3A_164, %mul3A_166 : i32
      %add3A_168 = arith.constant 0 : i32
      %add3A_169 = arith.addi %mul3A_167, %add3A_168 : i32
      %add3A_170 = arith.constant 1 : i32
      %add3A_171 = arith.addi %add3A_169, %add3A_170 : i32
      %lt3A_172 = arith.cmpi slt, %add3A_171, %select_n3A_60 : i32
      %convert_element_type3A_173 = arith.extui %lt3A_172 : i1 to i32
      %cond3A_174 = arith.constant 0 : i32
      %cond3A_175 = arith.cmpi ne, %convert_element_type3A_173, %cond3A_174 : i32
      scf.if %cond3A_175 {
        %add3A_215 = arith.constant 1 : i32
        %add3A_216 = arith.addi %add3A_169, %add3A_215 : i32
        %mul3A_217 = arith.constant 2048 : i32
        %mul3A_218 = arith.muli %add3A_216, %mul3A_217 : i32
        %add3A_219 = arith.addi %mul3A_31, %mul3A_218 : i32
        %dma_wait3A = tpu.memref_slice %arg5[%add3A_219] : memref<8388608xi32, #tpu.memory_space<hbm>> -> memref<2048xi32, #tpu.memory_space<hbm>>
        %dma_wait3A_220 = tpu.memref_slice %arg5[%add3A_219] : memref<8388608xi32, #tpu.memory_space<hbm>> -> memref<2048xi32, #tpu.memory_space<hbm>>
        tpu.wait_dma2 semaphore(%arg19 : memref<!tpu.dma_semaphore, #tpu.memory_space<semaphore_mem>>) src(%dma_wait3A_220 : memref<2048xi32, #tpu.memory_space<hbm>>) dst(%arg9 : memref<2048xi32, #tpu.memory_space<vmem>>)
        %dma_start3A = arith.constant 0 : i32
        %dma_start3A_221 = arith.constant 0 : i32
        %dma_start3A_222 = tpu.memref_slice %arg2[%dma_start3A, %dma_start3A_221] : memref<262144x16xf32, #tpu.memory_space<hbm>> -> memref<262144x16xf32, #tpu.memory_space<hbm>>
        tpu.enqueue_indirect_dma source(%dma_start3A_222 : memref<262144x16xf32, #tpu.memory_space<hbm>>) target(%arg15 : memref<2048x16xf32, #tpu.memory_space<vmem>>) offsets(%arg9 : memref<2048xi32, #tpu.memory_space<vmem>>) semaphore(%arg25 : memref<!tpu.dma_semaphore, #tpu.memory_space<semaphore_mem>>)
        %add3A_223 = arith.constant 1 : i32
        %add3A_224 = arith.addi %add3A_169, %add3A_223 : i32
        %mul3A_225 = arith.constant 2048 : i32
        %mul3A_226 = arith.muli %add3A_224, %mul3A_225 : i32
        %add3A_227 = arith.addi %mul3A_31, %mul3A_226 : i32
        %dma_start3A_228 = tpu.memref_slice %arg3[%add3A_227] : memref<8388608xf32, #tpu.memory_space<hbm>> -> memref<2048xf32, #tpu.memory_space<hbm>>
        %dma_start3A_229 = tpu.memref_slice %arg3[%add3A_227] : memref<8388608xf32, #tpu.memory_space<hbm>> -> memref<2048xf32, #tpu.memory_space<hbm>>
        tpu.enqueue_dma source(%dma_start3A_229 : memref<2048xf32, #tpu.memory_space<hbm>>) target(%arg13 : memref<2048xf32, #tpu.memory_space<vmem>>) target_semaphore(%arg23 : memref<!tpu.dma_semaphore, #tpu.memory_space<semaphore_mem>>)
        %add3A_230 = arith.constant 1 : i32
        %add3A_231 = arith.addi %add3A_169, %add3A_230 : i32
        %mul3A_232 = arith.constant 2048 : i32
        %mul3A_233 = arith.muli %add3A_231, %mul3A_232 : i32
        %add3A_234 = arith.addi %mul3A_31, %mul3A_233 : i32
        %dma_start3A_235 = tpu.memref_slice %arg4[%add3A_234] : memref<8388608xi32, #tpu.memory_space<hbm>> -> memref<2048xi32, #tpu.memory_space<hbm>>
        %dma_start3A_236 = tpu.memref_slice %arg4[%add3A_234] : memref<8388608xi32, #tpu.memory_space<hbm>> -> memref<2048xi32, #tpu.memory_space<hbm>>
        tpu.enqueue_dma source(%dma_start3A_236 : memref<2048xi32, #tpu.memory_space<hbm>>) target(%arg11 : memref<2048xi32, #tpu.memory_space<vmem>>) target_semaphore(%arg21 : memref<!tpu.dma_semaphore, #tpu.memory_space<semaphore_mem>>)
      } else {
      }
      %lt3A_176 = arith.cmpi slt, %add3A_169, %select_n3A_60 : i32
      %convert_element_type3A_177 = arith.extui %lt3A_176 : i1 to i32
      %cond3A_178 = arith.constant 0 : i32
      %cond3A_179 = arith.cmpi ne, %convert_element_type3A_177, %cond3A_178 : i32
      scf.if %cond3A_179 {
        %dma_wait3A = arith.constant 0 : i32
        %dma_wait3A_215 = arith.constant 0 : i32
        %dma_wait3A_216 = tpu.memref_slice %arg2[%dma_wait3A, %dma_wait3A_215] : memref<262144x16xf32, #tpu.memory_space<hbm>> -> memref<262144x16xf32, #tpu.memory_space<hbm>>
        tpu.wait_indirect_dma semaphore(%arg24 : memref<!tpu.dma_semaphore, #tpu.memory_space<semaphore_mem>>) src(%dma_wait3A_216 : memref<262144x16xf32, #tpu.memory_space<hbm>>) dst(%arg14 : memref<2048x16xf32, #tpu.memory_space<vmem>>)
      } else {
      }
      %add3A_180 = arith.constant 2 : i32
      %add3A_181 = arith.addi %add3A_169, %add3A_180 : i32
      %lt3A_182 = arith.cmpi slt, %add3A_181, %select_n3A_60 : i32
      %convert_element_type3A_183 = arith.extui %lt3A_182 : i1 to i32
      %cond3A_184 = arith.constant 0 : i32
      %cond3A_185 = arith.cmpi ne, %convert_element_type3A_183, %cond3A_184 : i32
      scf.if %cond3A_185 {
        %add3A_215 = arith.constant 2 : i32
        %add3A_216 = arith.addi %add3A_169, %add3A_215 : i32
        %mul3A_217 = arith.constant 2048 : i32
        %mul3A_218 = arith.muli %add3A_216, %mul3A_217 : i32
        %add3A_219 = arith.addi %mul3A_31, %mul3A_218 : i32
        %dma_start3A = tpu.memref_slice %arg5[%add3A_219] : memref<8388608xi32, #tpu.memory_space<hbm>> -> memref<2048xi32, #tpu.memory_space<hbm>>
        %dma_start3A_220 = tpu.memref_slice %arg5[%add3A_219] : memref<8388608xi32, #tpu.memory_space<hbm>> -> memref<2048xi32, #tpu.memory_space<hbm>>
        tpu.enqueue_dma source(%dma_start3A_220 : memref<2048xi32, #tpu.memory_space<hbm>>) target(%arg8 : memref<2048xi32, #tpu.memory_space<vmem>>) target_semaphore(%arg18 : memref<!tpu.dma_semaphore, #tpu.memory_space<semaphore_mem>>)
      } else {
      }
      %lt3A_186 = arith.cmpi slt, %add3A_169, %select_n3A_60 : i32
      %convert_element_type3A_187 = arith.extui %lt3A_186 : i1 to i32
      %cond3A_188 = arith.constant 0 : i32
      %cond3A_189 = arith.cmpi ne, %convert_element_type3A_187, %cond3A_188 : i32
      scf.if %cond3A_189 {
        %mul3A_215 = arith.constant 2048 : i32
        %mul3A_216 = arith.muli %add3A_169, %mul3A_215 : i32
        %add3A_217 = arith.addi %mul3A_31, %mul3A_216 : i32
        %dma_wait3A = tpu.memref_slice %arg3[%add3A_217] : memref<8388608xf32, #tpu.memory_space<hbm>> -> memref<2048xf32, #tpu.memory_space<hbm>>
        %dma_wait3A_218 = tpu.memref_slice %arg3[%add3A_217] : memref<8388608xf32, #tpu.memory_space<hbm>> -> memref<2048xf32, #tpu.memory_space<hbm>>
        tpu.wait_dma2 semaphore(%arg22 : memref<!tpu.dma_semaphore, #tpu.memory_space<semaphore_mem>>) src(%dma_wait3A_218 : memref<2048xf32, #tpu.memory_space<hbm>>) dst(%arg12 : memref<2048xf32, #tpu.memory_space<vmem>>)
        %mul3A_219 = arith.constant 2048 : i32
        %mul3A_220 = arith.muli %add3A_169, %mul3A_219 : i32
        %add3A_221 = arith.addi %mul3A_31, %mul3A_220 : i32
        %dma_wait3A_222 = tpu.memref_slice %arg4[%add3A_221] : memref<8388608xi32, #tpu.memory_space<hbm>> -> memref<2048xi32, #tpu.memory_space<hbm>>
        %dma_wait3A_223 = tpu.memref_slice %arg4[%add3A_221] : memref<8388608xi32, #tpu.memory_space<hbm>> -> memref<2048xi32, #tpu.memory_space<hbm>>
        tpu.wait_dma2 semaphore(%arg20 : memref<!tpu.dma_semaphore, #tpu.memory_space<semaphore_mem>>) src(%dma_wait3A_223 : memref<2048xi32, #tpu.memory_space<hbm>>) dst(%arg10 : memref<2048xi32, #tpu.memory_space<vmem>>)
        %parallel_loop3A = arith.constant 0 : i32
        %parallel_loop3A_224 = arith.constant 512 : i32
        %parallel_loop3A_225 = arith.constant 1 : i32
        scf.for %parallel_loop3A_226 = %parallel_loop3A to %parallel_loop3A_224 step %parallel_loop3A_225  : i32 {
          %parallel_loop3A_227 = arith.constant 4 : i32
          %parallel_loop3A_228 = arith.muli %parallel_loop3A_226, %parallel_loop3A_227 : i32
          %parallel_loop3A_229 = vector.broadcast %parallel_loop3A_228 : i32 to vector<16xi32>
          %parallel_loop3A_230 = arith.addi %parallel_loop3A_229, %select_n3A_91 : vector<16xi32>
          %parallel_loop3A_231 = tpu.vector_load_idx %arg12[%parallel_loop3A_230] : memref<2048xf32, #tpu.memory_space<vmem>>[vector<16xi32>], vector<16xf32>,
          %parallel_loop3A_232 = tpu.vector_load_idx %arg10[%parallel_loop3A_230] : memref<2048xi32, #tpu.memory_space<vmem>>[vector<16xi32>], vector<16xi32>,
          %parallel_loop3A_233 = tpu.vector_load_idx %arg14[%parallel_loop3A_230, %select_n3A_112] : memref<2048x16xf32, #tpu.memory_space<vmem>>[vector<16xi32>, vector<16xi32>], vector<16xf32>,
          %parallel_loop3A_234 = vector.broadcast %mul3A_2 : i32 to vector<16xi32>
          %parallel_loop3A_235 = arith.subi %parallel_loop3A_232, %parallel_loop3A_234 : vector<16xi32>
          %parallel_loop3A_236 = vector.bitcast %parallel_loop3A_235 : vector<16xi32> to vector<16xi32>
          %parallel_loop3A_237 = arith.constant 4096 : i32
          %parallel_loop3A_238 = vector.broadcast %parallel_loop3A_237 : i32 to vector<16xi32>
          %parallel_loop3A_239 = arith.cmpi ult, %parallel_loop3A_236, %parallel_loop3A_238 : vector<16xi32>
          %parallel_loop3A_240 = arith.constant 4 : i32
          %parallel_loop3A_241 = vector.broadcast %parallel_loop3A_240 : i32 to vector<16xi32>
          %parallel_loop3A_242 = arith.muli %parallel_loop3A_235, %parallel_loop3A_241 : vector<16xi32>
          %parallel_loop3A_243 = arith.addi %parallel_loop3A_242, %select_n3A_112 : vector<16xi32>
          %parallel_loop3A_244 = arith.mulf %parallel_loop3A_231, %parallel_loop3A_233 : vector<16xf32>
          tpu.vector_store_idx %arg16[%parallel_loop3A_243], %parallel_loop3A_244 masked %parallel_loop3A_239 {add = true} : memref<16384xf32, #tpu.memory_space<vmem>>[vector<16xi32>], vector<16xf32>, vector<16xi1>
        } {sc.loop_unroll_factor = 8 : i64, sc.parallel_access}
      } else {
      }
      %mul3A_190 = arith.constant 2 : i32
      %mul3A_191 = arith.muli %while3A_164, %mul3A_190 : i32
      %add3A_192 = arith.constant 1 : i32
      %add3A_193 = arith.addi %mul3A_191, %add3A_192 : i32
      %add3A_194 = arith.constant 1 : i32
      %add3A_195 = arith.addi %add3A_193, %add3A_194 : i32
      %lt3A_196 = arith.cmpi slt, %add3A_195, %select_n3A_60 : i32
      %convert_element_type3A_197 = arith.extui %lt3A_196 : i1 to i32
      %cond3A_198 = arith.constant 0 : i32
      %cond3A_199 = arith.cmpi ne, %convert_element_type3A_197, %cond3A_198 : i32
      scf.if %cond3A_199 {
        %add3A_215 = arith.constant 1 : i32
        %add3A_216 = arith.addi %add3A_193, %add3A_215 : i32
        %mul3A_217 = arith.constant 2048 : i32
        %mul3A_218 = arith.muli %add3A_216, %mul3A_217 : i32
        %add3A_219 = arith.addi %mul3A_31, %mul3A_218 : i32
        %dma_wait3A = tpu.memref_slice %arg5[%add3A_219] : memref<8388608xi32, #tpu.memory_space<hbm>> -> memref<2048xi32, #tpu.memory_space<hbm>>
        %dma_wait3A_220 = tpu.memref_slice %arg5[%add3A_219] : memref<8388608xi32, #tpu.memory_space<hbm>> -> memref<2048xi32, #tpu.memory_space<hbm>>
        tpu.wait_dma2 semaphore(%arg18 : memref<!tpu.dma_semaphore, #tpu.memory_space<semaphore_mem>>) src(%dma_wait3A_220 : memref<2048xi32, #tpu.memory_space<hbm>>) dst(%arg8 : memref<2048xi32, #tpu.memory_space<vmem>>)
        %dma_start3A = arith.constant 0 : i32
        %dma_start3A_221 = arith.constant 0 : i32
        %dma_start3A_222 = tpu.memref_slice %arg2[%dma_start3A, %dma_start3A_221] : memref<262144x16xf32, #tpu.memory_space<hbm>> -> memref<262144x16xf32, #tpu.memory_space<hbm>>
        tpu.enqueue_indirect_dma source(%dma_start3A_222 : memref<262144x16xf32, #tpu.memory_space<hbm>>) target(%arg14 : memref<2048x16xf32, #tpu.memory_space<vmem>>) offsets(%arg8 : memref<2048xi32, #tpu.memory_space<vmem>>) semaphore(%arg24 : memref<!tpu.dma_semaphore, #tpu.memory_space<semaphore_mem>>)
        %add3A_223 = arith.constant 1 : i32
        %add3A_224 = arith.addi %add3A_193, %add3A_223 : i32
        %mul3A_225 = arith.constant 2048 : i32
        %mul3A_226 = arith.muli %add3A_224, %mul3A_225 : i32
        %add3A_227 = arith.addi %mul3A_31, %mul3A_226 : i32
        %dma_start3A_228 = tpu.memref_slice %arg3[%add3A_227] : memref<8388608xf32, #tpu.memory_space<hbm>> -> memref<2048xf32, #tpu.memory_space<hbm>>
        %dma_start3A_229 = tpu.memref_slice %arg3[%add3A_227] : memref<8388608xf32, #tpu.memory_space<hbm>> -> memref<2048xf32, #tpu.memory_space<hbm>>
        tpu.enqueue_dma source(%dma_start3A_229 : memref<2048xf32, #tpu.memory_space<hbm>>) target(%arg12 : memref<2048xf32, #tpu.memory_space<vmem>>) target_semaphore(%arg22 : memref<!tpu.dma_semaphore, #tpu.memory_space<semaphore_mem>>)
        %add3A_230 = arith.constant 1 : i32
        %add3A_231 = arith.addi %add3A_193, %add3A_230 : i32
        %mul3A_232 = arith.constant 2048 : i32
        %mul3A_233 = arith.muli %add3A_231, %mul3A_232 : i32
        %add3A_234 = arith.addi %mul3A_31, %mul3A_233 : i32
        %dma_start3A_235 = tpu.memref_slice %arg4[%add3A_234] : memref<8388608xi32, #tpu.memory_space<hbm>> -> memref<2048xi32, #tpu.memory_space<hbm>>
        %dma_start3A_236 = tpu.memref_slice %arg4[%add3A_234] : memref<8388608xi32, #tpu.memory_space<hbm>> -> memref<2048xi32, #tpu.memory_space<hbm>>
        tpu.enqueue_dma source(%dma_start3A_236 : memref<2048xi32, #tpu.memory_space<hbm>>) target(%arg10 : memref<2048xi32, #tpu.memory_space<vmem>>) target_semaphore(%arg20 : memref<!tpu.dma_semaphore, #tpu.memory_space<semaphore_mem>>)
      } else {
      }
      %lt3A_200 = arith.cmpi slt, %add3A_193, %select_n3A_60 : i32
      %convert_element_type3A_201 = arith.extui %lt3A_200 : i1 to i32
      %cond3A_202 = arith.constant 0 : i32
      %cond3A_203 = arith.cmpi ne, %convert_element_type3A_201, %cond3A_202 : i32
      scf.if %cond3A_203 {
        %dma_wait3A = arith.constant 0 : i32
        %dma_wait3A_215 = arith.constant 0 : i32
        %dma_wait3A_216 = tpu.memref_slice %arg2[%dma_wait3A, %dma_wait3A_215] : memref<262144x16xf32, #tpu.memory_space<hbm>> -> memref<262144x16xf32, #tpu.memory_space<hbm>>
        tpu.wait_indirect_dma semaphore(%arg25 : memref<!tpu.dma_semaphore, #tpu.memory_space<semaphore_mem>>) src(%dma_wait3A_216 : memref<262144x16xf32, #tpu.memory_space<hbm>>) dst(%arg15 : memref<2048x16xf32, #tpu.memory_space<vmem>>)
      } else {
      }
      %add3A_204 = arith.constant 2 : i32
      %add3A_205 = arith.addi %add3A_193, %add3A_204 : i32
      %lt3A_206 = arith.cmpi slt, %add3A_205, %select_n3A_60 : i32
      %convert_element_type3A_207 = arith.extui %lt3A_206 : i1 to i32
      %cond3A_208 = arith.constant 0 : i32
      %cond3A_209 = arith.cmpi ne, %convert_element_type3A_207, %cond3A_208 : i32
      scf.if %cond3A_209 {
        %add3A_215 = arith.constant 2 : i32
        %add3A_216 = arith.addi %add3A_193, %add3A_215 : i32
        %mul3A_217 = arith.constant 2048 : i32
        %mul3A_218 = arith.muli %add3A_216, %mul3A_217 : i32
        %add3A_219 = arith.addi %mul3A_31, %mul3A_218 : i32
        %dma_start3A = tpu.memref_slice %arg5[%add3A_219] : memref<8388608xi32, #tpu.memory_space<hbm>> -> memref<2048xi32, #tpu.memory_space<hbm>>
        %dma_start3A_220 = tpu.memref_slice %arg5[%add3A_219] : memref<8388608xi32, #tpu.memory_space<hbm>> -> memref<2048xi32, #tpu.memory_space<hbm>>
        tpu.enqueue_dma source(%dma_start3A_220 : memref<2048xi32, #tpu.memory_space<hbm>>) target(%arg9 : memref<2048xi32, #tpu.memory_space<vmem>>) target_semaphore(%arg19 : memref<!tpu.dma_semaphore, #tpu.memory_space<semaphore_mem>>)
      } else {
      }
      %lt3A_210 = arith.cmpi slt, %add3A_193, %select_n3A_60 : i32
      %convert_element_type3A_211 = arith.extui %lt3A_210 : i1 to i32
      %cond3A_212 = arith.constant 0 : i32
      %cond3A_213 = arith.cmpi ne, %convert_element_type3A_211, %cond3A_212 : i32
      scf.if %cond3A_213 {
        %mul3A_215 = arith.constant 2048 : i32
        %mul3A_216 = arith.muli %add3A_193, %mul3A_215 : i32
        %add3A_217 = arith.addi %mul3A_31, %mul3A_216 : i32
        %dma_wait3A = tpu.memref_slice %arg3[%add3A_217] : memref<8388608xf32, #tpu.memory_space<hbm>> -> memref<2048xf32, #tpu.memory_space<hbm>>
        %dma_wait3A_218 = tpu.memref_slice %arg3[%add3A_217] : memref<8388608xf32, #tpu.memory_space<hbm>> -> memref<2048xf32, #tpu.memory_space<hbm>>
        tpu.wait_dma2 semaphore(%arg23 : memref<!tpu.dma_semaphore, #tpu.memory_space<semaphore_mem>>) src(%dma_wait3A_218 : memref<2048xf32, #tpu.memory_space<hbm>>) dst(%arg13 : memref<2048xf32, #tpu.memory_space<vmem>>)
        %mul3A_219 = arith.constant 2048 : i32
        %mul3A_220 = arith.muli %add3A_193, %mul3A_219 : i32
        %add3A_221 = arith.addi %mul3A_31, %mul3A_220 : i32
        %dma_wait3A_222 = tpu.memref_slice %arg4[%add3A_221] : memref<8388608xi32, #tpu.memory_space<hbm>> -> memref<2048xi32, #tpu.memory_space<hbm>>
        %dma_wait3A_223 = tpu.memref_slice %arg4[%add3A_221] : memref<8388608xi32, #tpu.memory_space<hbm>> -> memref<2048xi32, #tpu.memory_space<hbm>>
        tpu.wait_dma2 semaphore(%arg21 : memref<!tpu.dma_semaphore, #tpu.memory_space<semaphore_mem>>) src(%dma_wait3A_223 : memref<2048xi32, #tpu.memory_space<hbm>>) dst(%arg11 : memref<2048xi32, #tpu.memory_space<vmem>>)
        %parallel_loop3A = arith.constant 0 : i32
        %parallel_loop3A_224 = arith.constant 512 : i32
        %parallel_loop3A_225 = arith.constant 1 : i32
        scf.for %parallel_loop3A_226 = %parallel_loop3A to %parallel_loop3A_224 step %parallel_loop3A_225  : i32 {
          %parallel_loop3A_227 = arith.constant 4 : i32
          %parallel_loop3A_228 = arith.muli %parallel_loop3A_226, %parallel_loop3A_227 : i32
          %parallel_loop3A_229 = vector.broadcast %parallel_loop3A_228 : i32 to vector<16xi32>
          %parallel_loop3A_230 = arith.addi %parallel_loop3A_229, %select_n3A_91 : vector<16xi32>
          %parallel_loop3A_231 = tpu.vector_load_idx %arg13[%parallel_loop3A_230] : memref<2048xf32, #tpu.memory_space<vmem>>[vector<16xi32>], vector<16xf32>,
          %parallel_loop3A_232 = tpu.vector_load_idx %arg11[%parallel_loop3A_230] : memref<2048xi32, #tpu.memory_space<vmem>>[vector<16xi32>], vector<16xi32>,
          %parallel_loop3A_233 = tpu.vector_load_idx %arg15[%parallel_loop3A_230, %select_n3A_112] : memref<2048x16xf32, #tpu.memory_space<vmem>>[vector<16xi32>, vector<16xi32>], vector<16xf32>,
          %parallel_loop3A_234 = vector.broadcast %mul3A_2 : i32 to vector<16xi32>
          %parallel_loop3A_235 = arith.subi %parallel_loop3A_232, %parallel_loop3A_234 : vector<16xi32>
          %parallel_loop3A_236 = vector.bitcast %parallel_loop3A_235 : vector<16xi32> to vector<16xi32>
          %parallel_loop3A_237 = arith.constant 4096 : i32
          %parallel_loop3A_238 = vector.broadcast %parallel_loop3A_237 : i32 to vector<16xi32>
          %parallel_loop3A_239 = arith.cmpi ult, %parallel_loop3A_236, %parallel_loop3A_238 : vector<16xi32>
          %parallel_loop3A_240 = arith.constant 4 : i32
          %parallel_loop3A_241 = vector.broadcast %parallel_loop3A_240 : i32 to vector<16xi32>
          %parallel_loop3A_242 = arith.muli %parallel_loop3A_235, %parallel_loop3A_241 : vector<16xi32>
          %parallel_loop3A_243 = arith.addi %parallel_loop3A_242, %select_n3A_112 : vector<16xi32>
          %parallel_loop3A_244 = arith.mulf %parallel_loop3A_231, %parallel_loop3A_233 : vector<16xf32>
          tpu.vector_store_idx %arg16[%parallel_loop3A_243], %parallel_loop3A_244 masked %parallel_loop3A_239 {add = true} : memref<16384xf32, #tpu.memory_space<vmem>>[vector<16xi32>], vector<16xf32>, vector<16xi1>
        } {sc.loop_unroll_factor = 8 : i64, sc.parallel_access}
      } else {
      }
      %while3A_214 = arith.constant 0 : i32
      scf.yield %while3A_214 : i32
    }
    %mul3A_162 = arith.constant 4 : i32
    %mul3A_163 = arith.muli %mul3A_2, %mul3A_162 : i32
    "tpu.region"() ({
      %run_scoped3A = tpu.sem_alloc : memref<!tpu.dma_semaphore, #tpu.memory_space<semaphore_mem>>
      %dma_start3A = tpu.memref_slice %arg7[%mul3A_163] : memref<524288xf32, #tpu.memory_space<hbm>> -> memref<16384xf32, #tpu.memory_space<hbm>>
      %dma_start3A_164 = tpu.memref_slice %arg7[%mul3A_163] : memref<524288xf32, #tpu.memory_space<hbm>> -> memref<16384xf32, #tpu.memory_space<hbm>>
      tpu.enqueue_dma source(%arg16 : memref<16384xf32, #tpu.memory_space<vmem>>) target(%dma_start3A_164 : memref<16384xf32, #tpu.memory_space<hbm>>) target_semaphore(%run_scoped3A : memref<!tpu.dma_semaphore, #tpu.memory_space<semaphore_mem>>)
      %dma_wait3A = tpu.memref_slice %arg7[%mul3A_163] : memref<524288xf32, #tpu.memory_space<hbm>> -> memref<16384xf32, #tpu.memory_space<hbm>>
      %dma_wait3A_165 = tpu.memref_slice %arg7[%mul3A_163] : memref<524288xf32, #tpu.memory_space<hbm>> -> memref<16384xf32, #tpu.memory_space<hbm>>
      tpu.wait_dma2 semaphore(%run_scoped3A : memref<!tpu.dma_semaphore, #tpu.memory_space<semaphore_mem>>) src(%arg16 : memref<16384xf32, #tpu.memory_space<vmem>>) dst(%dma_wait3A_165 : memref<16384xf32, #tpu.memory_space<hbm>>)
      tpu.yield
    }) : () -> ()
    return
  }
}

</mosaic_0001>

<sc_bundles>
// kernel: gather_offload_async_start.1
scs
__scs_entry_jumppad:
0x0: {  	(pc) =	sbr.rel $0x88, $3  }
0x1: {  	(tag) =	ssettag $0x0;
	lr =	simm.s32 $0x1  }
0x2: {  	[smem:$0x3F9D] =	sst lr;
	_ =	strace $0xD0000000  }
0x3: {  	_ = 	snop  }
0x4: {  	_ = 	snop  }
0x5: {  	_ = 	snop  }
0x6: {  	_ = 	snop  }
0x7: {  	_ = 	snop  }
__scs_overlays_trampoline_lowered:
0x8: {  	[smem:$0x3FAC] =	sst s0  }
0x9: {  	[smem:$0x3FAD] =	sst s1  }
0xa: {  	[smem:$0x3FAE] =	sst s2  }
0xb: {  	[smem:$0x3FAF] =	sst s3  }
0xc: {  	[smem:$0x3FB0] =	sst s4  }
0xd: {  	[smem:$0x3FB1] =	sst s5  }
0xe: {  	[smem:$0x3FB2] =	sst s6  }
0xf: {  	[smem:$0x3FB3] =	sst s7  }
0x10: {  	[smem:$0x3FB4] =	sst s8  }
0x11: {  	[smem:$0x3FB5] =	sst s9;
	s0 =	simm.s32 @!p0 $0x0  }
0x12: {  	s1 =	sld [smem:$0x3F9B];
	s0 =	simm.s32 @p0 $0x1  }
0x13: {  	[smem:$0x3FB6] =	sst s0;
	s0 =	simm.s32 @!p1 $0x0  }
0x14: {  	s2 =	sld [smem:$0x3F9A];
	s0 =	simm.s32 @p1 $0x1  }
0x15: {  	[smem:$0x3FB7] =	sst s0;
	s0 =	simm.s32 @!p2 $0x0  }
0x16: {  	s3 =	sld [smem:$0x3FDB];
	s0 =	simm.s32 @p2 $0x1  }
0x17: {  	s4 =	simm.s32 $0x1BF5;
	[smem:$0x3FB9] =	sst s0  }
0x18: {  	s0 =	sld [smem:$0x3F9C];
	_ =	swait.ge [sflag:s4], $0x0  }
0x19: {  	s7 =	sld [smem:$0x3F9D]  }
0x1a: {  	s8 =	sadd.s32 $0xFFFFE003, lr  }
0x1b: {  	s9 =	sadd.s32 $0xFFFFFEF7, lr;
	s5 =	simm.s32 $0xFFFFFFFF;
	p2 =	slt.u32 s8, $0xFFFFF086  }
0x1c: {  	p1 =	slt.u32 s9, $0xF7A;
	s5 =	simm.s32 @!p2 $0x0  }
0x1d: {  	s5 =	simm.s32 @p1 $0x1;
	p0 =	seq.s32 s7, s2  }
0x1e: {  	s7 =	smul.u32 @!p0 $0xF7A, s2;
	p2 =	seq.s32 @!p0 s5, $0x0  }
0x1f: {  	s9 =	smul.u32 $0xF7A, s1;
	s8 =	simm.s32 @!p0 $0x1BF5;
	p2 =	por !p2, p0  }
0x20: {  	[sflag:s8] =	ssyncset.s32 @!p0 $0xFFFFF086;
	s6 =	sadd.s32 @!p0 s3, s7;
	s7 =	simm.s32 @!p0 $0x108  }
0x21: {  	s3 =	sadd.s32 s3, s9;
	s6 =	sadd.s32 @!p0 $0x88, s6;
	s7 =	simm.s32 @p2 $0x1082  }
0x22: {  	[simem:s7], [sflag:s8] =	dma.local @!p0 [hbm:s6], $0xF7A  }
0x23: {  	s9 =	sor.u32 $0xD0000000, s2;
	s6 =	simm.s32 $0x108;
	_ =	swait.ge @!p0 [sflag:s8], $0x0  }
0x24: {  	s3 =	sadd.s32 $0x88, s3;
	s6 =	simm.s32 @!p1 $0x1082;
	[sflag:s4] =	ssyncset.s32 $0xFFFFF086  }
0x25: {  	[simem:s6], [sflag:s4] =	dma.local [hbm:s3], $0xF7A  }
0x26: {  	[smem:$0x3F9D] =	sst s1;
	(tag) =	ssettag s2;
	_ =	strace s9  }
0x27: {  	s1 =	sld [smem:$0x3FAD]  }
0x28: {  	s2 =	sld [smem:$0x3FAE]  }
0x29: {  	s4 =	sld [smem:$0x3FB0]  }
0x2a: {  	p0 =	seq.s32 s5, $0x0;
	s5 =	sld [smem:$0x3FB1]  }
0x2b: {  	s6 =	sld [smem:$0x3FB2]  }
0x2c: {  	s7 =	sld [smem:$0x3FB3]  }
0x2d: {  	s3 =	simm.s32 $0x108;
	s8 =	sld [smem:$0x3FB4]  }
0x2e: {  	s3 =	simm.s32 @!p0 $0x1082;
	s9 =	sld [smem:$0x3FB5]  }
0x2f: {  	lr =	sadd.s32 s0, s3;
	s0 =	sld [smem:$0x3FAC]  }
0x30: {  	s3 =	sld [smem:$0x3FAF]  }
0x31: {  	[smem:$0x3FB8] =	sst s10  }
0x32: {  	s10 =	sld [smem:$0x3FB6];
	_ =	sdelay $0x3  }
0x33: {  	p0 =	seq.s32 s10, $0x1;
	s10 =	sld [smem:$0x3FB8];
	_ =	sdelay $0x3  }
0x34: {  	[smem:$0x3FB8] =	sst s10  }
0x35: {  	s10 =	sld [smem:$0x3FB7];
	_ =	sdelay $0x3  }
0x36: {  	p1 =	seq.s32 s10, $0x1;
	s10 =	sld [smem:$0x3FB8];
	_ =	sdelay $0x3  }
0x37: {  	[smem:$0x3FB8] =	sst s10  }
0x38: {  	s10 =	sld [smem:$0x3FB9]  }
0x39: {  	_ = 	snop;
	(pc) =	sbr.ind lr, $3  }
0x3a: {  	_ = 	snop  }
0x3b: {  	_ = 	snop  }
0x3c: {  	p2 =	seq.s32 s10, $0x1;
	s10 =	sld [smem:$0x3FB8]  }
0x3d: {  	_ =	shalt  }
0x3e: {  	_ =	shalt  }
0x3f: {  	_ =	shalt  }
0x40: {  	_ =	shalt  }
0x41: {  	_ =	shalt  }
0x42: {  	_ =	shalt  }
0x43: {  	_ =	shalt  }
0x44: {  	_ =	shalt  }
0x45: {  	_ =	shalt  }
0x46: {  	_ =	shalt  }
0x47: {  	_ =	shalt  }
0x48: {  	_ =	shalt  }
0x49: {  	_ =	shalt  }
0x4a: {  	_ =	shalt  }
0x4b: {  	_ =	shalt  }
0x4c: {  	_ =	shalt  }
0x4d: {  	_ =	shalt  }
0x4e: {  	_ =	shalt  }
0x4f: {  	_ =	shalt  }
0x50: {  	_ =	shalt  }
0x51: {  	_ =	shalt  }
0x52: {  	_ =	shalt  }
0x53: {  	_ =	shalt  }
0x54: {  	_ =	shalt  }
0x55: {  	_ =	shalt  }
0x56: {  	_ =	shalt  }
0x57: {  	_ =	shalt  }
0x58: {  	_ =	shalt  }
0x59: {  	_ =	shalt  }
0x5a: {  	_ =	shalt  }
0x5b: {  	_ =	shalt  }
0x5c: {  	_ =	shalt  }
0x5d: {  	_ =	shalt  }
0x5e: {  	_ =	shalt  }
0x5f: {  	_ =	shalt  }
0x60: {  	_ =	shalt  }
0x61: {  	_ =	shalt  }
0x62: {  	_ =	shalt  }
0x63: {  	_ =	shalt  }
0x64: {  	_ =	shalt  }
0x65: {  	_ =	shalt  }
0x66: {  	_ =	shalt  }
0x67: {  	_ =	shalt  }
0x68: {  	_ =	shalt  }
0x69: {  	_ =	shalt  }
0x6a: {  	_ =	shalt  }
0x6b: {  	_ =	shalt  }
0x6c: {  	_ =	shalt  }
0x6d: {  	_ =	shalt  }
0x6e: {  	_ =	shalt  }
0x6f: {  	_ =	shalt  }
0x70: {  	_ =	shalt  }
0x71: {  	_ =	shalt  }
0x72: {  	_ =	shalt  }
0x73: {  	_ =	shalt  }
0x74: {  	_ =	shalt  }
0x75: {  	_ =	shalt  }
0x76: {  	_ =	shalt  }
0x77: {  	_ =	shalt  }
0x78: {  	_ =	shalt  }
0x79: {  	_ =	shalt  }
0x7a: {  	_ =	shalt  }
0x7b: {  	_ =	shalt  }
0x7c: {  	_ =	shalt  }
0x7d: {  	_ =	shalt  }
0x7e: {  	_ =	shalt  }
0x7f: {  	_ =	shalt  }
0x80: {  	_ =	shalt  }
0x81: {  	_ =	shalt  }
0x82: {  	_ =	shalt  }
0x83: {  	_ =	shalt  }
0x84: {  	_ =	shalt  }
0x85: {  	_ =	shalt  }
0x86: {  	_ =	shalt  }
0x87: {  	_ =	shalt  }
.Lfunc_end0:
.L_simem_size_0:
called_computation.1_lowered:
.L_overlay_start_0:
0x88: {  	s2 =	sld [smem:$0x3FD9]  }
0x89: {  	s3 =	sld [smem:$0x3FFE];
	_ =	sdelay $0x1  }
0x8a: {  	s1 =	srdreg.scid  }
0x8b: {  	s0 =	sand.u32 $0x1, s1  }
0x8c: {  	s17 =	sshll.u32 s0, $0xA;
	s2 =	sadd.s32 s3, s2  }
0x8d: {  	s2 =	sadd.s32 s2, s17  }
0x8e: {  	[smem:$0x3FC4] =	sst s2  }
0x8f: {  	_ = 	snop  }
0x90: {  	s2 =	sld [smem:$0x3FC7]  }
0x91: {  	s18 =	sld [smem:$0x3FD0];
	(tm) =	ssettm $0x1  }
0x92: {  	s4 =	sld [smem:$0x3FFB];
	_ =	sdelay $0x3  }
0x93: {  	_ =	strace s4  }
0x94: {  	s4 =	sld [smem:$0x3FFC];
	_ =	sdelay $0x3  }
0x95: {  	_ =	strace s4  }
0x96: {  	s4 =	sld [smem:$0x3FFD];
	_ =	sdelay $0x3  }
0x97: {  	_ =	strace s4  }
0x98: {  	_ =	strace $0x8FFFFFFF  }
0x99: {  	s19 =	sld [smem:$0x3FDB];
	_ =	sdelay $0x1  }
0x9a: {  	s5 =	simm.s32 $_scs_section_size  }
0x9b: {  	s6 =	simm.s32 $_size__tile_overlayer_lowered;
	s7 =	simm.s32 $_tile_overlayer_lowered  }
0x9c: {  	s22 =	simm.s32 $0x1BFF;
	s21 =	sshll.u32 s7, $0x1;
	s4 =	sadd.s32 s5, s19  }
0x9d: {  	s8 =	simm.s32 $0x0;
	s20 =	sshll.u32 s6, $0x1;
	s6 =	sadd.s32 s21, s4  }
0x9e: {  	[timem:s8], [sflag:s22] =	dma.local [hbm:s6], s20  }
0x9f: {  	_ =	swait.ge [sflag:s22], s20  }
0xa0: {  	s5 =	ssub.s32 $0x0, s20;
	[sflag:s22] =	ssyncset.done $0x0  }
0xa1: {  	[sflag:s22] =	ssyncadd.s32 s5;
	_ =	sdelay $0x1  }
0xa2: {  	s23 =	simm.s32 $0x1B8B  }
0xa3: {  	_ =	swait.ge [sflag:s23], $0x1  }
0xa4: {  	[sflag:s23] =	ssyncset.done $0x0  }
0xa5: {  	s25 =	simm.s32 $0x1B8E;
	s24 =	sld [smem:$0x3FFE];
	[sflag:s23] =	ssyncadd.s32 $0xFFFFFFFF  }
0xa6: {  	s26 =	simm.s32 $execute0_lowered;
	[smem:$0x3FD2] =	sst s25  }
0xa7: {  	s6 =	sshll.u32 s26, $0x1;
	_ =	strace $0x80000049;
	[dreg:$0x1] =	wrdreg $0xFFFFFFFF  }
0xa8: {  	s28 =	simm.s32 $_size_execute0_lowered;
	s4 =	sadd.s32 s4, s6;
	[dreg:$0x0] =	wrdreg $0x0  }
0xa9: {  	s6 =	sshll.u32 s28, $0x1;
	[dreg:$0x2] =	wrdreg s4  }
0xaa: {  	[dreg:$0x3] =	wrdreg s6  }
0xab: {  	[dreg:$0x4] =	wrdreg $0xC0  }
0xac: {  	_ =	task [dreg:s8], $0x5FFFF  }
0xad: {  	[dreg:$0x1] =	wrdreg $0xFFFFFFFF  }
0xae: {  	[dreg:$0x0] =	wrdreg $0x60  }
0xaf: {  	[dreg:$0x2] =	wrdreg s2  }
0xb0: {  	[dreg:$0x3] =	wrdreg s18  }
0xb1: {  	[dreg:$0x4] =	wrdreg s24  }
0xb2: {  	[dreg:$0x5] =	wrdreg $0x9  }
0xb3: {  	_ =	task.clear_ibuf [dreg:s8], $0x6FFFF;
	_ =	strace $0x90000049  }
0xb4: {  	s29 =	simm.s32 $0x9;
	_ =	strace $0x8000004B  }
0xb5: {  	_ =	swait.ge [sflag:s29], $0x1  }
0xb6: {  	[sflag:s29] =	ssyncadd.s32 $0xFFFFFFFF  }
0xb7: {  	_ =	strace $0x9000004B  }
0xb8: {  	_ =	sfence  }
0xb9: {  	s30 =	sld [smem:$0x0];
	_ =	sdelay $0x2  }
0xba: {  	s31 =	sshll.u32 s1, $0xD;
	s1 =	sshrl.u32 s1, $0x2  }
0xbb: {  	s3 =	sand.u32 $0x4000, s31;
	s1 =	sadd.s32 s1, s30  }
0xbc: {  	s0 =	sor.u32 s3, s0;
	s1 =	sshll.u32 s1, $0x11  }
0xbd: {  	s0 =	sor.u32 s1, s0  }
0xbe: {  	s0 =	sadd.s32 $0x8F2B, s0  }
0xbf: {  	[sflag:s0] =	ssyncadd.remote.s32 $0x1  }
0xc0: {  	_ =	sfence.sel $0xFFFF  }
0xc1: {  	[dreg:$0x0] =	wrdreg $0xFFFFFFFF;
	(pc) =	sbr.abs _section_cstart, $3  }
0xc2: {  	[dreg:$0x1] =	wrdreg $0xFFFFFFFF  }
0xc3: {  	_ =	task.clear_ibuf [dreg:s8], $0x2FFFF;
	_ =	strace $0x9FFFFFFF  }
0xc4: {  	(tm) =	ssettm $0x7FFFFFFF  }
0xc5: {  	_ =	shalt  }
tec
execute0_lowered:
.L_overlay_start_1:
0x0: {  	(tag) =	ssettag $0x1  }
0x1: {  	s2 =	rddreg [dreg:$0x0]  }
0x2: {  	s3 =	rddreg [dreg:$0x1]  }
0x3: {  	s8 =	rddreg [dreg:$0x2];
	s1 =	stileid.u32  }
0x4: {  	s4 =	srdreg.scid;
	s0 =	rddreg [dreg:$0x3];
	_ =	strace $0x8000004A  }
0x5: {  	s7 =	simm.s32 $0x1;
	s9 =	simm.s32 $0x1;
	s10 =	simm.s32 $0x3  }
0x6: {  	s13 =	simm.s32 $0x0;
	s5 =	sand.u32 $0x1, s4;
	s6 =	sshll.u32 s1, $0x1  }
0x7: {  	s12 =	simm.s32 $0x0;
	s4 =	simm.s32 $0x1;
	s5 =	sor.u32 s6, s5  }
.Ltmp0:
0x8: {  	[sflag:s4] =	ssyncpa.u1 $0x0;
	p0 =	slt.u32 s5, $0xD;
	(pc) =	sbr.rel .LBB2_1-.Ltmp0, $4  }
0x9: {  	s6 =	simm.s32 $0x2;
	s7 =	simm.s32 @!p0 $0x0;
	p0 =	sne.s32 s5, $0xC  }
0xa: {  	[sflag:s6] =	ssyncpa.u1 $0x0;
	s5 =	smul.u32 $0xC0, s5;
	s9 =	simm.s32 @!p0 $0x0  }
0xb: {  	s8 =	sadd.s32 $0x600, s8;
	[sflag:s10] =	ssyncpa.u1 $0x0;
	s7 =	sadd.s32 s9, s7  }
0xc: {  	vm0 =	vmmov $0xffff;
	s10 =	simm.s32 $0x0;
	s11 =	smov.u32 s5;
	s9 =	sadd.s32 $0x1, s7  }
.LBB2_4:
0xd: {  	v2 =	vnsel vm1, $0x0, v2  }
0xe: {  	vm1 =	vgt.s32 v0, $0x0;
	v2 =	vmin.u32 v2, $0x7FFFFF  }
0xf: {  	v0 =	vnsel vm1, $0x0, v0  }
0x10: {  	v0 =	vmin.u32 v0, $0x7FFFFF  }
0x11: {  	[tilespmem:s18], [sflag:$0x1] =	stream.indirect_vreg.gather [hbm4b:s2+s10], $0x1, v1, vm0, $0x4038;
	[tilespmem:$0x300] =	vst v63  }
0x12: {  	(ifvalue) =	ssetifvalue $0x7FFFFFFF  }
0x13: {  	[tilespmem:s15], [sflag:$0x1] =	stream.indirect_vreg.gather [hbm4b:s2+s10], $0x1, v2, vm0, $0x4038;
	[tilespmem:$0x300] =	vst v63  }
0x14: {  	s29 =	sadd.s32 $0x10, s15;
	(ifvalue) =	ssetifvalue $0x7FFFFFFF  }
0x15: {  	[tilespmem:s29], [sflag:$0x1] =	stream.indirect_vreg.gather [hbm4b:s2+s10], $0x1, v0, vm0, $0x4038;
	[tilespmem:$0x300] =	vst v63  }
0x16: {  	_ =	swait.ge [sflag:s4], $0xC0  }
0x17: {  	s30 =	sshrl.u32 s13, $0x3;
	[sflag:s4] =	ssyncset.done $0x0  }
0x18: {  	s31 =	sand.u32 $0x7, s13;
	s15 =	sadd.s32 s8, s30;
	[sflag:s4] =	ssyncadd.s32 $0xFFFFFF40  }
0x19: {  	[hbm4b:s15+s31] =	stream.linear.scatter [tilespmem:s14], [sflag:$0x3], $0xC0, $0x38;
	[tilespmem:$0x300] =	vst v63  }
.LBB2_5:
0x1a: {  	s15 =	sadd.s32 $0x1800, s11  }
0x1b: {  	p1 =	sgt.s32 s15, $0x20FF  }
0x1c: {  	s15 =	smov.u32 @p1 s5;
	p1 =	sne.s32 s12, s9  }
.Ltmp1:
0x1d: {  	p0 =	slt.u32 s12, $0x2;
	(pc) =	sbr.rel @!p1 .LBB2_6-.Ltmp1, $4  }
0x1e: {  	s14 =	simm.s32 @!p0 $0x3  }
0x1f: {  	_ =	swait.ge @!p0 [sflag:s14], $0xC0  }
0x20: {  	s16 =	sadd.s32 $0x1, s12;
	s13 =	smov.u32 s11;
	[sflag:s14] =	ssyncset.done @!p0 $0x0  }
0x21: {  	s12 =	smov.u32 s16;
	s11 =	smov.u32 s15;
	[sflag:s14] =	ssyncadd.s32 @!p0 $0xFFFFFF40  }
.LBB2_1:
0x22: {  	p0 =	sge.u32 s12, s7  }
0x23: {  	s14 =	sxor.u32 @!p0 $0x1, s12  }
0x24: {  	s14 =	smul.u32 @!p0 $0x300, s14  }
0x25: {  	s31 =	sadd.s32 $0xFFFFFFFF, s12;
	s15 =	sshrl.u32 @!p0 s11, $0x3  }
0x26: {  	s16 =	sand.u32 @!p0 $0x7, s11;
	s15 =	sadd.s32 @!p0 s3, s15;
	s14 =	sshra.s32 @!p0 s14, $0x2  }
0x27: {  	[tilespmem:s14], [sflag:$0x2] =	stream.linear.gather @!p0 [hbm4b:s15+s16], $0xC0, $0x38;
	[tilespmem:$0x300] =	vst v63  }
0x28: {  	p0 =	sge.u32 s31, s7  }
.Ltmp2:
0x29: {  	_ = 	snop;
	(pc) =	sbr.rel @p0 .LBB2_5-.Ltmp2, $1  }
0x2a: {  	_ =	sdelay $0x3  }
0x2b: {  	s14 =	sand.u32 $0x1, s12  }
0x2c: {  	_ =	swait.ge [sflag:s6], $0xC0;
	p0 =	seq.s32 s14, $0x1;
	s14 =	simm.s32 $0xC0  }
0x2d: {  	[sflag:s6] =	ssyncset.done $0x0;
	s14 =	simm.s32 @!p0 $0x0  }
0x2e: {  	[sflag:s6] =	ssyncadd.s32 $0xFFFFFF40;
	(ifvalue) =	ssetifvalue $0x7FFFFFFF;
	v0 =	vld.msk [tilespmem:s14+$0x0 ss:$0x1], $0xffff;
	_ =	sdelay $0x4  }
0x2f: {  	s15 =	sadd.s32 $0x10, s14;
	vm1 =	vgt.s32 v0, $0x0  }
0x30: {  	v2 =	vld.msk [tilespmem:s15+$0x0 ss:$0x1], $0xffff;
	v1 =	vnsel vm1, $0x0, v0  }
0x31: {  	v1 =	vmin.u32 v1, $0x7FFFFF;
	_ =	sdelay $0x2  }
0x32: {  	s17 =	simm.s32 $0x20;
	s14 =	sadd.s32 $0x180, s14;
	s16 =	sadd.s32 $0x10, s15  }
0x33: {  	s15 =	sadd.s32 $0x10, s14;
	s18 =	smov.u32 s14;
	v0 =	vld.msk [tilespmem:s16+$0x0 ss:$0x1], $0xffff;
	vm1 =	vgt.s32 v2, $0x0;
	(ifvalue) =	ssetifvalue $0x7FFFFFFF  }
.LBB2_3:
0x34: {  	[tilespmem:s18], [sflag:$0x1] =	stream.indirect_vreg.gather [hbm4b:s2+s10], $0x1, v1, vm0, $0x4038;
	[tilespmem:$0x300] =	vst v63  }
0x35: {  	s17 =	sadd.s32 $0x10, s17  }
0x36: {  	v2 =	vnsel vm1, $0x0, v2;
	p0 =	slt.u32 s17, $0xB0  }
.Ltmp3:
0x37: {  	s18 =	smov.u32 s15;
	v1 =	vmin.u32 v2, $0x7FFFFF;
	(pc) =	sbr.rel @p0 .LBB2_3-.Ltmp3, $3  }
0x38: {  	_ =	sdelay $0x1  }
0x39: {  	s16 =	sadd.s32 $0x10, s16  }
0x3a: {  	vm1 =	vgt.s32 v0, $0x0;
	s15 =	sadd.s32 $0x10, s15;
	v2 =	vmov v0;
	(ifvalue) =	ssetifvalue $0x7FFFFFFF;
	v0 =	vld.msk [tilespmem:s16+$0x0 ss:$0x1], $0xffff  }
.Ltmp4:
0x3b: {  	_ = 	snop;
	(pc) =	sbr.rel .LBB2_4-.Ltmp4, $1  }
0x3c: {  	_ =	sdelay $0x3  }
.LBB2_6:
0x3d: {  	_ =	sfence.sel $0x180000  }
0x3e: {  	s2 =	simm.s32 $0x2;
	[bflag:$0x0] =	sbarrier.arrive $0xFFFF  }
0x3f: {  	s30 =	simm.s32 $0x3;
	[sflag:s2] =	ssyncpa.u1 $0x1  }
0x40: {  	s31 =	simm.s32 $0x1;
	[sflag:s30] =	ssyncpa.u1 $0x1  }
0x41: {  	[sflag:s31] =	ssyncpa.u1 $0x1  }
0x42: {  	p0 =	sne.s32 s1, $0x0;
	_ =	strace $0x9000004A  }
0x43: {  	s0 =	sadd.s32 @!p0 $0x100000, s0;
	[bflag:$0x2] =	sbarrier.arrive $0xFFFF  }
0x44: {  	[sflag:s0] =	ssyncadd.tile.s32 @!p0 $0x1;
	_ =	shalt  }
.Lfunc_end2:
_tile_overlayer_lowered:
.L_overlay_start_2:
0x45: {  	(tag) =	ssettag $0x2  }
0x46: {  	s0 =	rddreg [dreg:$0x0];
	s2 =	stileid.u32  }
0x47: {  	s1 =	rddreg [dreg:$0x1];
	p0 =	sne.s32 s2, $0x0  }
0x48: {  	s3 =	rddreg [dreg:$0x2];
	[bflag:$0x3] =	sbarrier.arrive $0xFFFF;
	s2 =	simm.s32 @!p0 $0x1C01  }
0x49: {  	[timem:s3], [sflag:s2] =	dma.local @!p0 [hbm:s0], s1  }
0x4a: {  	s0 =	simm.s32 @!p0 $0x1  }
0x4b: {  	_ =	swait.ge @!p0 [sflag:s0], s1  }
0x4c: {  	s1 =	ssub.s32 @!p0 $0x0, s1;
	[sflag:s0] =	ssyncset.done @!p0 $0x0  }
0x4d: {  	[sflag:s0] =	ssyncadd.s32 @!p0 s1  }
0x4e: {  	[bflag:$0x3] =	sbarrier.arrive $0xFFFF  }
0x4f: {  	_ =	shalt  }

// kernel: gather_offload_async_start
scs
__scs_entry_jumppad:
0x0: {  	(pc) =	sbr.rel $0x88, $3  }
0x1: {  	(tag) =	ssettag $0x0;
	lr =	simm.s32 $0x1  }
0x2: {  	[smem:$0x3F9D] =	sst lr;
	_ =	strace $0xD0000000  }
0x3: {  	_ = 	snop  }
0x4: {  	_ = 	snop  }
0x5: {  	_ = 	snop  }
0x6: {  	_ = 	snop  }
0x7: {  	_ = 	snop  }
__scs_overlays_trampoline_lowered:
0x8: {  	[smem:$0x3FAC] =	sst s0  }
0x9: {  	[smem:$0x3FAD] =	sst s1  }
0xa: {  	[smem:$0x3FAE] =	sst s2  }
0xb: {  	[smem:$0x3FAF] =	sst s3  }
0xc: {  	[smem:$0x3FB0] =	sst s4  }
0xd: {  	[smem:$0x3FB1] =	sst s5  }
0xe: {  	[smem:$0x3FB2] =	sst s6  }
0xf: {  	[smem:$0x3FB3] =	sst s7  }
0x10: {  	[smem:$0x3FB4] =	sst s8  }
0x11: {  	[smem:$0x3FB5] =	sst s9;
	s0 =	simm.s32 @!p0 $0x0  }
0x12: {  	s1 =	sld [smem:$0x3F9B];
	s0 =	simm.s32 @p0 $0x1  }
0x13: {  	[smem:$0x3FB6] =	sst s0;
	s0 =	simm.s32 @!p1 $0x0  }
0x14: {  	s2 =	sld [smem:$0x3F9A];
	s0 =	simm.s32 @p1 $0x1  }
0x15: {  	[smem:$0x3FB7] =	sst s0;
	s0 =	simm.s32 @!p2 $0x0  }
0x16: {  	s3 =	sld [smem:$0x3FDB];
	s0 =	simm.s32 @p2 $0x1  }
0x17: {  	s4 =	simm.s32 $0x1BF5;
	[smem:$0x3FB9] =	sst s0  }
0x18: {  	s0 =	sld [smem:$0x3F9C];
	_ =	swait.ge [sflag:s4], $0x0  }
0x19: {  	s7 =	sld [smem:$0x3F9D]  }
0x1a: {  	s8 =	sadd.s32 $0xFFFFE003, lr  }
0x1b: {  	s9 =	sadd.s32 $0xFFFFFEF7, lr;
	s5 =	simm.s32 $0xFFFFFFFF;
	p2 =	slt.u32 s8, $0xFFFFF086  }
0x1c: {  	p1 =	slt.u32 s9, $0xF7A;
	s5 =	simm.s32 @!p2 $0x0  }
0x1d: {  	s5 =	simm.s32 @p1 $0x1;
	p0 =	seq.s32 s7, s2  }
0x1e: {  	s7 =	smul.u32 @!p0 $0xF7A, s2;
	p2 =	seq.s32 @!p0 s5, $0x0  }
0x1f: {  	s9 =	smul.u32 $0xF7A, s1;
	s8 =	simm.s32 @!p0 $0x1BF5;
	p2 =	por !p2, p0  }
0x20: {  	[sflag:s8] =	ssyncset.s32 @!p0 $0xFFFFF086;
	s6 =	sadd.s32 @!p0 s3, s7;
	s7 =	simm.s32 @!p0 $0x108  }
0x21: {  	s3 =	sadd.s32 s3, s9;
	s6 =	sadd.s32 @!p0 $0x88, s6;
	s7 =	simm.s32 @p2 $0x1082  }
0x22: {  	[simem:s7], [sflag:s8] =	dma.local @!p0 [hbm:s6], $0xF7A  }
0x23: {  	s9 =	sor.u32 $0xD0000000, s2;
	s6 =	simm.s32 $0x108;
	_ =	swait.ge @!p0 [sflag:s8], $0x0  }
0x24: {  	s3 =	sadd.s32 $0x88, s3;
	s6 =	simm.s32 @!p1 $0x1082;
	[sflag:s4] =	ssyncset.s32 $0xFFFFF086  }
0x25: {  	[simem:s6], [sflag:s4] =	dma.local [hbm:s3], $0xF7A  }
0x26: {  	[smem:$0x3F9D] =	sst s1;
	(tag) =	ssettag s2;
	_ =	strace s9  }
0x27: {  	s1 =	sld [smem:$0x3FAD]  }
0x28: {  	s2 =	sld [smem:$0x3FAE]  }
0x29: {  	s4 =	sld [smem:$0x3FB0]  }
0x2a: {  	p0 =	seq.s32 s5, $0x0;
	s5 =	sld [smem:$0x3FB1]  }
0x2b: {  	s6 =	sld [smem:$0x3FB2]  }
0x2c: {  	s7 =	sld [smem:$0x3FB3]  }
0x2d: {  	s3 =	simm.s32 $0x108;
	s8 =	sld [smem:$0x3FB4]  }
0x2e: {  	s3 =	simm.s32 @!p0 $0x1082;
	s9 =	sld [smem:$0x3FB5]  }
0x2f: {  	lr =	sadd.s32 s0, s3;
	s0 =	sld [smem:$0x3FAC]  }
0x30: {  	s3 =	sld [smem:$0x3FAF]  }
0x31: {  	[smem:$0x3FB8] =	sst s10  }
0x32: {  	s10 =	sld [smem:$0x3FB6];
	_ =	sdelay $0x3  }
0x33: {  	p0 =	seq.s32 s10, $0x1;
	s10 =	sld [smem:$0x3FB8];
	_ =	sdelay $0x3  }
0x34: {  	[smem:$0x3FB8] =	sst s10  }
0x35: {  	s10 =	sld [smem:$0x3FB7];
	_ =	sdelay $0x3  }
0x36: {  	p1 =	seq.s32 s10, $0x1;
	s10 =	sld [smem:$0x3FB8];
	_ =	sdelay $0x3  }
0x37: {  	[smem:$0x3FB8] =	sst s10  }
0x38: {  	s10 =	sld [smem:$0x3FB9]  }
0x39: {  	_ = 	snop;
	(pc) =	sbr.ind lr, $3  }
0x3a: {  	_ = 	snop  }
0x3b: {  	_ = 	snop  }
0x3c: {  	p2 =	seq.s32 s10, $0x1;
	s10 =	sld [smem:$0x3FB8]  }
0x3d: {  	_ =	shalt  }
0x3e: {  	_ =	shalt  }
0x3f: {  	_ =	shalt  }
0x40: {  	_ =	shalt  }
0x41: {  	_ =	shalt  }
0x42: {  	_ =	shalt  }
0x43: {  	_ =	shalt  }
0x44: {  	_ =	shalt  }
0x45: {  	_ =	shalt  }
0x46: {  	_ =	shalt  }
0x47: {  	_ =	shalt  }
0x48: {  	_ =	shalt  }
0x49: {  	_ =	shalt  }
0x4a: {  	_ =	shalt  }
0x4b: {  	_ =	shalt  }
0x4c: {  	_ =	shalt  }
0x4d: {  	_ =	shalt  }
0x4e: {  	_ =	shalt  }
0x4f: {  	_ =	shalt  }
0x50: {  	_ =	shalt  }
0x51: {  	_ =	shalt  }
0x52: {  	_ =	shalt  }
0x53: {  	_ =	shalt  }
0x54: {  	_ =	shalt  }
0x55: {  	_ =	shalt  }
0x56: {  	_ =	shalt  }
0x57: {  	_ =	shalt  }
0x58: {  	_ =	shalt  }
0x59: {  	_ =	shalt  }
0x5a: {  	_ =	shalt  }
0x5b: {  	_ =	shalt  }
0x5c: {  	_ =	shalt  }
0x5d: {  	_ =	shalt  }
0x5e: {  	_ =	shalt  }
0x5f: {  	_ =	shalt  }
0x60: {  	_ =	shalt  }
0x61: {  	_ =	shalt  }
0x62: {  	_ =	shalt  }
0x63: {  	_ =	shalt  }
0x64: {  	_ =	shalt  }
0x65: {  	_ =	shalt  }
0x66: {  	_ =	shalt  }
0x67: {  	_ =	shalt  }
0x68: {  	_ =	shalt  }
0x69: {  	_ =	shalt  }
0x6a: {  	_ =	shalt  }
0x6b: {  	_ =	shalt  }
0x6c: {  	_ =	shalt  }
0x6d: {  	_ =	shalt  }
0x6e: {  	_ =	shalt  }
0x6f: {  	_ =	shalt  }
0x70: {  	_ =	shalt  }
0x71: {  	_ =	shalt  }
0x72: {  	_ =	shalt  }
0x73: {  	_ =	shalt  }
0x74: {  	_ =	shalt  }
0x75: {  	_ =	shalt  }
0x76: {  	_ =	shalt  }
0x77: {  	_ =	shalt  }
0x78: {  	_ =	shalt  }
0x79: {  	_ =	shalt  }
0x7a: {  	_ =	shalt  }
0x7b: {  	_ =	shalt  }
0x7c: {  	_ =	shalt  }
0x7d: {  	_ =	shalt  }
0x7e: {  	_ =	shalt  }
0x7f: {  	_ =	shalt  }
0x80: {  	_ =	shalt  }
0x81: {  	_ =	shalt  }
0x82: {  	_ =	shalt  }
0x83: {  	_ =	shalt  }
0x84: {  	_ =	shalt  }
0x85: {  	_ =	shalt  }
0x86: {  	_ =	shalt  }
0x87: {  	_ =	shalt  }
.Lfunc_end0:
.L_simem_size_0:
called_computation_lowered:
.L_overlay_start_0:
0x88: {  	s2 =	sld [smem:$0x3FD9]  }
0x89: {  	s3 =	sld [smem:$0x3FFE];
	_ =	sdelay $0x1  }
0x8a: {  	s1 =	srdreg.scid  }
0x8b: {  	s0 =	sand.u32 $0x1, s1  }
0x8c: {  	s17 =	sshll.u32 s0, $0xA;
	s2 =	sadd.s32 s3, s2  }
0x8d: {  	s2 =	sadd.s32 s2, s17  }
0x8e: {  	[smem:$0x3FC4] =	sst s2  }
0x8f: {  	_ = 	snop  }
0x90: {  	s2 =	sld [smem:$0x3FD0];
	(tm) =	ssettm $0x1  }
0x91: {  	s18 =	sld [smem:$0x3FFB];
	_ =	sdelay $0x3  }
0x92: {  	_ =	strace s18  }
0x93: {  	s3 =	sld [smem:$0x3FFC];
	_ =	sdelay $0x3  }
0x94: {  	_ =	strace s3  }
0x95: {  	s3 =	sld [smem:$0x3FFD];
	_ =	sdelay $0x3  }
0x96: {  	_ =	strace s3  }
0x97: {  	_ =	strace $0x8FFFFFFF  }
0x98: {  	s19 =	sld [smem:$0x3FDB];
	_ =	sdelay $0x1  }
0x99: {  	s4 =	simm.s32 $_scs_section_size  }
0x9a: {  	s5 =	simm.s32 $_size__tile_overlayer_lowered;
	s6 =	simm.s32 $_tile_overlayer_lowered  }
0x9b: {  	s22 =	simm.s32 $0x1BFF;
	s21 =	sshll.u32 s6, $0x1;
	s3 =	sadd.s32 s4, s19  }
0x9c: {  	s7 =	simm.s32 $0x0;
	s20 =	sshll.u32 s5, $0x1;
	s5 =	sadd.s32 s21, s3  }
0x9d: {  	[timem:s7], [sflag:s22] =	dma.local [hbm:s5], s20  }
0x9e: {  	_ =	swait.ge [sflag:s22], s20  }
0x9f: {  	s4 =	ssub.s32 $0x0, s20;
	[sflag:s22] =	ssyncset.done $0x0  }
0xa0: {  	[sflag:s22] =	ssyncadd.s32 s4;
	_ =	sdelay $0x1  }
0xa1: {  	s23 =	simm.s32 $0x1B8B  }
0xa2: {  	_ =	swait.ge [sflag:s23], $0x1  }
0xa3: {  	[sflag:s23] =	ssyncset.done $0x0  }
0xa4: {  	s25 =	simm.s32 $0x1B8E;
	s24 =	sld [smem:$0x3FFE];
	[sflag:s23] =	ssyncadd.s32 $0xFFFFFFFF  }
0xa5: {  	s26 =	simm.s32 $execute0_lowered;
	[smem:$0x3FD2] =	sst s25  }
0xa6: {  	s5 =	sshll.u32 s26, $0x1;
	_ =	strace $0x80000046;
	[dreg:$0x1] =	wrdreg $0xFFFFFFFF  }
0xa7: {  	s28 =	simm.s32 $_size_execute0_lowered;
	s3 =	sadd.s32 s3, s5;
	[dreg:$0x0] =	wrdreg $0x0  }
0xa8: {  	s5 =	sshll.u32 s28, $0x1;
	[dreg:$0x2] =	wrdreg s3  }
0xa9: {  	[dreg:$0x3] =	wrdreg s5  }
0xaa: {  	[dreg:$0x4] =	wrdreg $0xC0  }
0xab: {  	_ =	task [dreg:s7], $0x5FFFF  }
0xac: {  	[dreg:$0x1] =	wrdreg $0xFFFFFFFF  }
0xad: {  	[dreg:$0x0] =	wrdreg $0x60  }
0xae: {  	[dreg:$0x2] =	wrdreg s2  }
0xaf: {  	[dreg:$0x3] =	wrdreg s24  }
0xb0: {  	[dreg:$0x4] =	wrdreg $0x9  }
0xb1: {  	_ =	task.clear_ibuf [dreg:s7], $0x5FFFF;
	_ =	strace $0x90000046  }
0xb2: {  	s29 =	simm.s32 $0x9;
	_ =	strace $0x80000048  }
0xb3: {  	_ =	swait.ge [sflag:s29], $0x1  }
0xb4: {  	[sflag:s29] =	ssyncadd.s32 $0xFFFFFFFF  }
0xb5: {  	_ =	strace $0x90000048  }
0xb6: {  	_ =	sfence  }
0xb7: {  	s30 =	sld [smem:$0x0];
	_ =	sdelay $0x2  }
0xb8: {  	s31 =	sshll.u32 s1, $0xD;
	s1 =	sshrl.u32 s1, $0x2  }
0xb9: {  	s3 =	sand.u32 $0x4000, s31;
	s1 =	sadd.s32 s1, s30  }
0xba: {  	s0 =	sor.u32 s3, s0;
	s1 =	sshll.u32 s1, $0x11  }
0xbb: {  	s0 =	sor.u32 s1, s0  }
0xbc: {  	s0 =	sadd.s32 $0x8F2B, s0  }
0xbd: {  	[sflag:s0] =	ssyncadd.remote.s32 $0x1  }
0xbe: {  	_ =	sfence.sel $0xFFFF  }
0xbf: {  	[dreg:$0x0] =	wrdreg $0xFFFFFFFF;
	(pc) =	sbr.abs _section_cstart, $3  }
0xc0: {  	[dreg:$0x1] =	wrdreg $0xFFFFFFFF  }
0xc1: {  	_ =	task.clear_ibuf [dreg:s7], $0x2FFFF;
	_ =	strace $0x9FFFFFFF  }
0xc2: {  	(tm) =	ssettm $0x7FFFFFFF  }
0xc3: {  	_ =	shalt  }
tec
execute0_lowered:
.L_overlay_start_1:
0x0: {  	(tag) =	ssettag $0x1  }
0x1: {  	s2 =	rddreg [dreg:$0x0]  }
0x2: {  	s8 =	rddreg [dreg:$0x1]  }
0x3: {  	s0 =	rddreg [dreg:$0x2];
	s1 =	stileid.u32  }
0x4: {  	s3 =	srdreg.scid;
	_ =	strace $0x80000047;
	s4 =	simm.s32 $0x1  }
0x5: {  	s7 =	simm.s32 $0x1;
	s9 =	simm.s32 $0x1;
	s10 =	simm.s32 $0x3  }
0x6: {  	s13 =	simm.s32 $0x0;
	s5 =	sand.u32 $0x1, s3;
	s6 =	sshll.u32 s1, $0x1  }
0x7: {  	s12 =	simm.s32 $0x0;
	s3 =	sadd.s32 $0x400800, s8;
	s5 =	sor.u32 s6, s5  }
.Ltmp0:
0x8: {  	[sflag:s4] =	ssyncpa.u1 $0x0;
	p0 =	slt.u32 s5, $0xD;
	(pc) =	sbr.rel .LBB2_1-.Ltmp0, $4  }
0x9: {  	s6 =	simm.s32 $0x2;
	s7 =	simm.s32 @!p0 $0x0;
	p0 =	sne.s32 s5, $0xC  }
0xa: {  	[sflag:s6] =	ssyncpa.u1 $0x0;
	s5 =	smul.u32 $0xC0, s5;
	s9 =	simm.s32 @!p0 $0x0  }
0xb: {  	s8 =	sadd.s32 $0x600, s8;
	[sflag:s10] =	ssyncpa.u1 $0x0;
	s7 =	sadd.s32 s9, s7  }
0xc: {  	vm0 =	vmmov $0xffff;
	s10 =	simm.s32 $0x0;
	s11 =	smov.u32 s5;
	s9 =	sadd.s32 $0x1, s7  }
.LBB2_4:
0xd: {  	v2 =	vnsel vm1, $0x0, v2  }
0xe: {  	vm1 =	vgt.s32 v0, $0x0;
	v2 =	vmin.u32 v2, $0x7FFF  }
0xf: {  	v0 =	vnsel vm1, $0x0, v0  }
0x10: {  	v0 =	vmin.u32 v0, $0x7FFF  }
0x11: {  	[tilespmem:s18], [sflag:$0x1] =	stream.indirect_vreg.gather [hbm4b:s2+s10], $0x1, v1, vm0, $0x4038;
	[tilespmem:$0x300] =	vst v63  }
0x12: {  	(ifvalue) =	ssetifvalue $0x7FFFFFFF  }
0x13: {  	[tilespmem:s15], [sflag:$0x1] =	stream.indirect_vreg.gather [hbm4b:s2+s10], $0x1, v2, vm0, $0x4038;
	[tilespmem:$0x300] =	vst v63  }
0x14: {  	s29 =	sadd.s32 $0x10, s15;
	(ifvalue) =	ssetifvalue $0x7FFFFFFF  }
0x15: {  	[tilespmem:s29], [sflag:$0x1] =	stream.indirect_vreg.gather [hbm4b:s2+s10], $0x1, v0, vm0, $0x4038;
	[tilespmem:$0x300] =	vst v63  }
0x16: {  	_ =	swait.ge [sflag:s4], $0xC0  }
0x17: {  	s30 =	sshrl.u32 s13, $0x3;
	[sflag:s4] =	ssyncset.done $0x0  }
0x18: {  	s31 =	sand.u32 $0x7, s13;
	s15 =	sadd.s32 s8, s30;
	[sflag:s4] =	ssyncadd.s32 $0xFFFFFF40  }
0x19: {  	[hbm4b:s15+s31] =	stream.linear.scatter [tilespmem:s14], [sflag:$0x3], $0xC0, $0x38;
	[tilespmem:$0x300] =	vst v63  }
.LBB2_5:
0x1a: {  	s15 =	sadd.s32 $0x1800, s11  }
0x1b: {  	p1 =	sgt.s32 s15, $0x20FF  }
0x1c: {  	s15 =	smov.u32 @p1 s5;
	p1 =	sne.s32 s12, s9  }
.Ltmp1:
0x1d: {  	p0 =	slt.u32 s12, $0x2;
	(pc) =	sbr.rel @!p1 .LBB2_6-.Ltmp1, $4  }
0x1e: {  	s14 =	simm.s32 @!p0 $0x3  }
0x1f: {  	_ =	swait.ge @!p0 [sflag:s14], $0xC0  }
0x20: {  	s16 =	sadd.s32 $0x1, s12;
	s13 =	smov.u32 s11;
	[sflag:s14] =	ssyncset.done @!p0 $0x0  }
0x21: {  	s12 =	smov.u32 s16;
	s11 =	smov.u32 s15;
	[sflag:s14] =	ssyncadd.s32 @!p0 $0xFFFFFF40  }
.LBB2_1:
0x22: {  	p0 =	sge.u32 s12, s7  }
0x23: {  	s14 =	sxor.u32 @!p0 $0x1, s12  }
0x24: {  	s14 =	smul.u32 @!p0 $0x300, s14  }
0x25: {  	s31 =	sadd.s32 $0xFFFFFFFF, s12;
	s15 =	sshrl.u32 @!p0 s11, $0x3  }
0x26: {  	s16 =	sand.u32 @!p0 $0x7, s11;
	s15 =	sadd.s32 @!p0 s3, s15;
	s14 =	sshra.s32 @!p0 s14, $0x2  }
0x27: {  	[tilespmem:s14], [sflag:$0x2] =	stream.linear.gather @!p0 [hbm4b:s15+s16], $0xC0, $0x38;
	[tilespmem:$0x300] =	vst v63  }
0x28: {  	p0 =	sge.u32 s31, s7  }
.Ltmp2:
0x29: {  	_ = 	snop;
	(pc) =	sbr.rel @p0 .LBB2_5-.Ltmp2, $1  }
0x2a: {  	_ =	sdelay $0x3  }
0x2b: {  	s14 =	sand.u32 $0x1, s12  }
0x2c: {  	_ =	swait.ge [sflag:s6], $0xC0;
	p0 =	seq.s32 s14, $0x1;
	s14 =	simm.s32 $0xC0  }
0x2d: {  	[sflag:s6] =	ssyncset.done $0x0;
	s14 =	simm.s32 @!p0 $0x0  }
0x2e: {  	[sflag:s6] =	ssyncadd.s32 $0xFFFFFF40;
	(ifvalue) =	ssetifvalue $0x7FFFFFFF;
	v0 =	vld.msk [tilespmem:s14+$0x0 ss:$0x1], $0xffff;
	_ =	sdelay $0x4  }
0x2f: {  	s15 =	sadd.s32 $0x10, s14;
	vm1 =	vgt.s32 v0, $0x0  }
0x30: {  	v2 =	vld.msk [tilespmem:s15+$0x0 ss:$0x1], $0xffff;
	v1 =	vnsel vm1, $0x0, v0  }
0x31: {  	v1 =	vmin.u32 v1, $0x7FFF;
	_ =	sdelay $0x2  }
0x32: {  	s17 =	simm.s32 $0x20;
	s14 =	sadd.s32 $0x180, s14;
	s16 =	sadd.s32 $0x10, s15  }
0x33: {  	s15 =	sadd.s32 $0x10, s14;
	s18 =	smov.u32 s14;
	v0 =	vld.msk [tilespmem:s16+$0x0 ss:$0x1], $0xffff;
	vm1 =	vgt.s32 v2, $0x0;
	(ifvalue) =	ssetifvalue $0x7FFFFFFF  }
.LBB2_3:
0x34: {  	[tilespmem:s18], [sflag:$0x1] =	stream.indirect_vreg.gather [hbm4b:s2+s10], $0x1, v1, vm0, $0x4038;
	[tilespmem:$0x300] =	vst v63  }
0x35: {  	s17 =	sadd.s32 $0x10, s17  }
0x36: {  	v2 =	vnsel vm1, $0x0, v2;
	p0 =	slt.u32 s17, $0xB0  }
.Ltmp3:
0x37: {  	s18 =	smov.u32 s15;
	v1 =	vmin.u32 v2, $0x7FFF;
	(pc) =	sbr.rel @p0 .LBB2_3-.Ltmp3, $3  }
0x38: {  	_ =	sdelay $0x1  }
0x39: {  	s16 =	sadd.s32 $0x10, s16  }
0x3a: {  	vm1 =	vgt.s32 v0, $0x0;
	s15 =	sadd.s32 $0x10, s15;
	v2 =	vmov v0;
	(ifvalue) =	ssetifvalue $0x7FFFFFFF;
	v0 =	vld.msk [tilespmem:s16+$0x0 ss:$0x1], $0xffff  }
.Ltmp4:
0x3b: {  	_ = 	snop;
	(pc) =	sbr.rel .LBB2_4-.Ltmp4, $1  }
0x3c: {  	_ =	sdelay $0x3  }
.LBB2_6:
0x3d: {  	_ =	sfence.sel $0x180000  }
0x3e: {  	s2 =	simm.s32 $0x2;
	[bflag:$0x0] =	sbarrier.arrive $0xFFFF  }
0x3f: {  	s30 =	simm.s32 $0x3;
	[sflag:s2] =	ssyncpa.u1 $0x1  }
0x40: {  	s31 =	simm.s32 $0x1;
	[sflag:s30] =	ssyncpa.u1 $0x1  }
0x41: {  	[sflag:s31] =	ssyncpa.u1 $0x1  }
0x42: {  	p0 =	sne.s32 s1, $0x0;
	_ =	strace $0x90000047  }
0x43: {  	s0 =	sadd.s32 @!p0 $0x100000, s0;
	[bflag:$0x2] =	sbarrier.arrive $0xFFFF  }
0x44: {  	[sflag:s0] =	ssyncadd.tile.s32 @!p0 $0x1;
	_ =	shalt  }
.Lfunc_end2:
_tile_overlayer_lowered:
.L_overlay_start_2:
0x45: {  	(tag) =	ssettag $0x2  }
0x46: {  	s0 =	rddreg [dreg:$0x0];
	s2 =	stileid.u32  }
0x47: {  	s1 =	rddreg [dreg:$0x1];
	p0 =	sne.s32 s2, $0x0  }
0x48: {  	s3 =	rddreg [dreg:$0x2];
	[bflag:$0x3] =	sbarrier.arrive $0xFFFF;
	s2 =	simm.s32 @!p0 $0x1C01  }
0x49: {  	[timem:s3], [sflag:s2] =	dma.local @!p0 [hbm:s0], s1  }
0x4a: {  	s0 =	simm.s32 @!p0 $0x1  }
0x4b: {  	_ =	swait.ge @!p0 [sflag:s0], s1  }
0x4c: {  	s1 =	ssub.s32 @!p0 $0x0, s1;
	[sflag:s0] =	ssyncset.done @!p0 $0x0  }
0x4d: {  	[sflag:s0] =	ssyncadd.s32 @!p0 s1  }
0x4e: {  	[bflag:$0x3] =	sbarrier.arrive $0xFFFF  }
0x4f: {  	_ =	shalt  }

// kernel: kernel.3.cloned.1.call-start
scs
__scs_entry_jumppad:
0x0: {  	(pc) =	sbr.rel $0x88, $3  }
0x1: {  	(tag) =	ssettag $0x0;
	lr =	simm.s32 $0x1  }
0x2: {  	[smem:$0x3F9D] =	sst lr;
	_ =	strace $0xD0000000  }
0x3: {  	_ = 	snop  }
0x4: {  	_ = 	snop  }
0x5: {  	_ = 	snop  }
0x6: {  	_ = 	snop  }
0x7: {  	_ = 	snop  }
__scs_overlays_trampoline_lowered:
0x8: {  	[smem:$0x3FAC] =	sst s0  }
0x9: {  	[smem:$0x3FAD] =	sst s1  }
0xa: {  	[smem:$0x3FAE] =	sst s2  }
0xb: {  	[smem:$0x3FAF] =	sst s3  }
0xc: {  	[smem:$0x3FB0] =	sst s4  }
0xd: {  	[smem:$0x3FB1] =	sst s5  }
0xe: {  	[smem:$0x3FB2] =	sst s6  }
0xf: {  	[smem:$0x3FB3] =	sst s7  }
0x10: {  	[smem:$0x3FB4] =	sst s8  }
0x11: {  	[smem:$0x3FB5] =	sst s9;
	s0 =	simm.s32 @!p0 $0x0  }
0x12: {  	s1 =	sld [smem:$0x3F9B];
	s0 =	simm.s32 @p0 $0x1  }
0x13: {  	[smem:$0x3FB6] =	sst s0;
	s0 =	simm.s32 @!p1 $0x0  }
0x14: {  	s2 =	sld [smem:$0x3F9A];
	s0 =	simm.s32 @p1 $0x1  }
0x15: {  	[smem:$0x3FB7] =	sst s0;
	s0 =	simm.s32 @!p2 $0x0  }
0x16: {  	s3 =	sld [smem:$0x3FDB];
	s0 =	simm.s32 @p2 $0x1  }
0x17: {  	s4 =	simm.s32 $0x1BF5;
	[smem:$0x3FB9] =	sst s0  }
0x18: {  	s0 =	sld [smem:$0x3F9C];
	_ =	swait.ge [sflag:s4], $0x0  }
0x19: {  	s7 =	sld [smem:$0x3F9D]  }
0x1a: {  	s8 =	sadd.s32 $0xFFFFE003, lr  }
0x1b: {  	s9 =	sadd.s32 $0xFFFFFEF7, lr;
	s5 =	simm.s32 $0xFFFFFFFF;
	p2 =	slt.u32 s8, $0xFFFFF086  }
0x1c: {  	p1 =	slt.u32 s9, $0xF7A;
	s5 =	simm.s32 @!p2 $0x0  }
0x1d: {  	s5 =	simm.s32 @p1 $0x1;
	p0 =	seq.s32 s7, s2  }
0x1e: {  	s7 =	smul.u32 @!p0 $0xF7A, s2;
	p2 =	seq.s32 @!p0 s5, $0x0  }
0x1f: {  	s9 =	smul.u32 $0xF7A, s1;
	s8 =	simm.s32 @!p0 $0x1BF5;
	p2 =	por !p2, p0  }
0x20: {  	[sflag:s8] =	ssyncset.s32 @!p0 $0xFFFFF086;
	s6 =	sadd.s32 @!p0 s3, s7;
	s7 =	simm.s32 @!p0 $0x108  }
0x21: {  	s3 =	sadd.s32 s3, s9;
	s6 =	sadd.s32 @!p0 $0x88, s6;
	s7 =	simm.s32 @p2 $0x1082  }
0x22: {  	[simem:s7], [sflag:s8] =	dma.local @!p0 [hbm:s6], $0xF7A  }
0x23: {  	s9 =	sor.u32 $0xD0000000, s2;
	s6 =	simm.s32 $0x108;
	_ =	swait.ge @!p0 [sflag:s8], $0x0  }
0x24: {  	s3 =	sadd.s32 $0x88, s3;
	s6 =	simm.s32 @!p1 $0x1082;
	[sflag:s4] =	ssyncset.s32 $0xFFFFF086  }
0x25: {  	[simem:s6], [sflag:s4] =	dma.local [hbm:s3], $0xF7A  }
0x26: {  	[smem:$0x3F9D] =	sst s1;
	(tag) =	ssettag s2;
	_ =	strace s9  }
0x27: {  	s1 =	sld [smem:$0x3FAD]  }
0x28: {  	s2 =	sld [smem:$0x3FAE]  }
0x29: {  	s4 =	sld [smem:$0x3FB0]  }
0x2a: {  	p0 =	seq.s32 s5, $0x0;
	s5 =	sld [smem:$0x3FB1]  }
0x2b: {  	s6 =	sld [smem:$0x3FB2]  }
0x2c: {  	s7 =	sld [smem:$0x3FB3]  }
0x2d: {  	s3 =	simm.s32 $0x108;
	s8 =	sld [smem:$0x3FB4]  }
0x2e: {  	s3 =	simm.s32 @!p0 $0x1082;
	s9 =	sld [smem:$0x3FB5]  }
0x2f: {  	lr =	sadd.s32 s0, s3;
	s0 =	sld [smem:$0x3FAC]  }
0x30: {  	s3 =	sld [smem:$0x3FAF]  }
0x31: {  	[smem:$0x3FB8] =	sst s10  }
0x32: {  	s10 =	sld [smem:$0x3FB6];
	_ =	sdelay $0x3  }
0x33: {  	p0 =	seq.s32 s10, $0x1;
	s10 =	sld [smem:$0x3FB8];
	_ =	sdelay $0x3  }
0x34: {  	[smem:$0x3FB8] =	sst s10  }
0x35: {  	s10 =	sld [smem:$0x3FB7];
	_ =	sdelay $0x3  }
0x36: {  	p1 =	seq.s32 s10, $0x1;
	s10 =	sld [smem:$0x3FB8];
	_ =	sdelay $0x3  }
0x37: {  	[smem:$0x3FB8] =	sst s10  }
0x38: {  	s10 =	sld [smem:$0x3FB9]  }
0x39: {  	_ = 	snop;
	(pc) =	sbr.ind lr, $3  }
0x3a: {  	_ = 	snop  }
0x3b: {  	_ = 	snop  }
0x3c: {  	p2 =	seq.s32 s10, $0x1;
	s10 =	sld [smem:$0x3FB8]  }
0x3d: {  	_ =	shalt  }
0x3e: {  	_ =	shalt  }
0x3f: {  	_ =	shalt  }
0x40: {  	_ =	shalt  }
0x41: {  	_ =	shalt  }
0x42: {  	_ =	shalt  }
0x43: {  	_ =	shalt  }
0x44: {  	_ =	shalt  }
0x45: {  	_ =	shalt  }
0x46: {  	_ =	shalt  }
0x47: {  	_ =	shalt  }
0x48: {  	_ =	shalt  }
0x49: {  	_ =	shalt  }
0x4a: {  	_ =	shalt  }
0x4b: {  	_ =	shalt  }
0x4c: {  	_ =	shalt  }
0x4d: {  	_ =	shalt  }
0x4e: {  	_ =	shalt  }
0x4f: {  	_ =	shalt  }
0x50: {  	_ =	shalt  }
0x51: {  	_ =	shalt  }
0x52: {  	_ =	shalt  }
0x53: {  	_ =	shalt  }
0x54: {  	_ =	shalt  }
0x55: {  	_ =	shalt  }
0x56: {  	_ =	shalt  }
0x57: {  	_ =	shalt  }
0x58: {  	_ =	shalt  }
0x59: {  	_ =	shalt  }
0x5a: {  	_ =	shalt  }
0x5b: {  	_ =	shalt  }
0x5c: {  	_ =	shalt  }
0x5d: {  	_ =	shalt  }
0x5e: {  	_ =	shalt  }
0x5f: {  	_ =	shalt  }
0x60: {  	_ =	shalt  }
0x61: {  	_ =	shalt  }
0x62: {  	_ =	shalt  }
0x63: {  	_ =	shalt  }
0x64: {  	_ =	shalt  }
0x65: {  	_ =	shalt  }
0x66: {  	_ =	shalt  }
0x67: {  	_ =	shalt  }
0x68: {  	_ =	shalt  }
0x69: {  	_ =	shalt  }
0x6a: {  	_ =	shalt  }
0x6b: {  	_ =	shalt  }
0x6c: {  	_ =	shalt  }
0x6d: {  	_ =	shalt  }
0x6e: {  	_ =	shalt  }
0x6f: {  	_ =	shalt  }
0x70: {  	_ =	shalt  }
0x71: {  	_ =	shalt  }
0x72: {  	_ =	shalt  }
0x73: {  	_ =	shalt  }
0x74: {  	_ =	shalt  }
0x75: {  	_ =	shalt  }
0x76: {  	_ =	shalt  }
0x77: {  	_ =	shalt  }
0x78: {  	_ =	shalt  }
0x79: {  	_ =	shalt  }
0x7a: {  	_ =	shalt  }
0x7b: {  	_ =	shalt  }
0x7c: {  	_ =	shalt  }
0x7d: {  	_ =	shalt  }
0x7e: {  	_ =	shalt  }
0x7f: {  	_ =	shalt  }
0x80: {  	_ =	shalt  }
0x81: {  	_ =	shalt  }
0x82: {  	_ =	shalt  }
0x83: {  	_ =	shalt  }
0x84: {  	_ =	shalt  }
0x85: {  	_ =	shalt  }
0x86: {  	_ =	shalt  }
0x87: {  	_ =	shalt  }
.Lfunc_end0:
.L_simem_size_0:
called_computation.2_lowered:
.L_overlay_start_0:
0x88: {  	s2 =	sld [smem:$0x3FD9]  }
0x89: {  	s3 =	sld [smem:$0x3FFE];
	_ =	sdelay $0x1  }
0x8a: {  	s1 =	srdreg.scid  }
0x8b: {  	s0 =	sand.u32 $0x1, s1  }
0x8c: {  	s17 =	sshll.u32 s0, $0xA;
	s2 =	sadd.s32 s3, s2  }
0x8d: {  	s2 =	sadd.s32 s2, s17  }
0x8e: {  	[smem:$0x3FC4] =	sst s2  }
0x8f: {  	_ = 	snop  }
0x90: {  	s2 =	sld [smem:$0x3FC8]  }
0x91: {  	s18 =	sld [smem:$0x3FC7]  }
0x92: {  	s4 =	sld [smem:$0x3FC6]  }
0x93: {  	s5 =	sld [smem:$0x3FD0];
	(tm) =	ssettm $0x1  }
0x94: {  	s6 =	sld [smem:$0x3FFB];
	_ =	sdelay $0x3  }
0x95: {  	_ =	strace s6  }
0x96: {  	s6 =	sld [smem:$0x3FFC];
	_ =	sdelay $0x3  }
0x97: {  	_ =	strace s6  }
0x98: {  	s6 =	sld [smem:$0x3FFD];
	_ =	sdelay $0x3  }
0x99: {  	_ =	strace s6  }
0x9a: {  	_ =	strace $0x8FFFFFFF  }
0x9b: {  	s19 =	sld [smem:$0x3FDB];
	_ =	sdelay $0x1  }
0x9c: {  	s7 =	simm.s32 $_scs_section_size  }
0x9d: {  	s8 =	simm.s32 $_size__tile_overlayer_lowered;
	s9 =	simm.s32 $_tile_overlayer_lowered  }
0x9e: {  	s22 =	simm.s32 $0x1BFF;
	s21 =	sshll.u32 s9, $0x1;
	s6 =	sadd.s32 s7, s19  }
0x9f: {  	s10 =	simm.s32 $0x0;
	s20 =	sshll.u32 s8, $0x1;
	s8 =	sadd.s32 s21, s6  }
0xa0: {  	[timem:s10], [sflag:s22] =	dma.local [hbm:s8], s20  }
0xa1: {  	_ =	swait.ge [sflag:s22], s20  }
0xa2: {  	s7 =	ssub.s32 $0x0, s20;
	[sflag:s22] =	ssyncset.done $0x0  }
0xa3: {  	[sflag:s22] =	ssyncadd.s32 s7;
	_ =	sdelay $0x1  }
0xa4: {  	s23 =	simm.s32 $0x1B8B  }
0xa5: {  	_ =	swait.ge [sflag:s23], $0x1  }
0xa6: {  	[sflag:s23] =	ssyncset.done $0x0  }
0xa7: {  	s25 =	simm.s32 $0x1B8E;
	s24 =	sld [smem:$0x3FFE];
	[sflag:s23] =	ssyncadd.s32 $0xFFFFFFFF  }
0xa8: {  	s26 =	simm.s32 $execute0_lowered;
	[smem:$0x3FD2] =	sst s25  }
0xa9: {  	s8 =	sshll.u32 s26, $0x1;
	_ =	strace $0x8000004C;
	[dreg:$0x1] =	wrdreg $0xFFFFFFFF  }
0xaa: {  	s28 =	simm.s32 $_size_execute0_lowered;
	s6 =	sadd.s32 s6, s8;
	[dreg:$0x0] =	wrdreg $0x0  }
0xab: {  	s8 =	sshll.u32 s28, $0x1;
	[dreg:$0x2] =	wrdreg s6  }
0xac: {  	[dreg:$0x3] =	wrdreg s8  }
0xad: {  	[dreg:$0x4] =	wrdreg $0xC0  }
0xae: {  	_ =	task [dreg:s10], $0x5FFFF  }
0xaf: {  	[dreg:$0x1] =	wrdreg $0xFFFFFFFF  }
0xb0: {  	[dreg:$0x0] =	wrdreg $0x60  }
0xb1: {  	[dreg:$0x2] =	wrdreg s24  }
0xb2: {  	[dreg:$0x3] =	wrdreg s2  }
0xb3: {  	[dreg:$0x4] =	wrdreg s18  }
0xb4: {  	[dreg:$0x5] =	wrdreg s4  }
0xb5: {  	[dreg:$0x6] =	wrdreg s5  }
0xb6: {  	[dreg:$0x7] =	wrdreg $0x9  }
0xb7: {  	_ =	task.clear_ibuf [dreg:s10], $0x8FFFF;
	_ =	strace $0x9000004C  }
0xb8: {  	s29 =	simm.s32 $0x9;
	_ =	strace $0x8000004E  }
0xb9: {  	_ =	swait.ge [sflag:s29], $0x1  }
0xba: {  	[sflag:s29] =	ssyncadd.s32 $0xFFFFFFFF  }
0xbb: {  	_ =	strace $0x9000004E  }
0xbc: {  	_ =	sfence  }
0xbd: {  	s30 =	sld [smem:$0x0];
	_ =	sdelay $0x2  }
0xbe: {  	s31 =	sshll.u32 s1, $0xD;
	s1 =	sshrl.u32 s1, $0x2  }
0xbf: {  	s3 =	sand.u32 $0x4000, s31;
	s1 =	sadd.s32 s1, s30  }
0xc0: {  	s0 =	sor.u32 s3, s0;
	s1 =	sshll.u32 s1, $0x11  }
0xc1: {  	s0 =	sor.u32 s1, s0  }
0xc2: {  	s0 =	sadd.s32 $0x8F2B, s0  }
0xc3: {  	[sflag:s0] =	ssyncadd.remote.s32 $0x1  }
0xc4: {  	_ =	sfence.sel $0xFFFF  }
0xc5: {  	[dreg:$0x0] =	wrdreg $0xFFFFFFFF;
	(pc) =	sbr.abs _section_cstart, $3  }
0xc6: {  	[dreg:$0x1] =	wrdreg $0xFFFFFFFF  }
0xc7: {  	_ =	task.clear_ibuf [dreg:s10], $0x2FFFF;
	_ =	strace $0x9FFFFFFF  }
0xc8: {  	(tm) =	ssettm $0x7FFFFFFF  }
0xc9: {  	_ =	shalt  }
tec
execute0_lowered:
.L_overlay_start_1:
0x0: {  	(tag) =	ssettag $0x1  }
0x1: {  	s1 =	rddreg [dreg:$0x0]  }
0x2: {  	s2 =	rddreg [dreg:$0x1]  }
0x3: {  	s3 =	rddreg [dreg:$0x2]  }
0x4: {  	s4 =	rddreg [dreg:$0x3]  }
0x5: {  	s0 =	rddreg [dreg:$0x4]  }
0x6: {  	s25 =	simm.s32 $0x0;
	s5 =	srdreg.scid;
	s6 =	stileid.u32  }
0x7: {  	s11 =	simm.s32 $0x9;
	s13 =	simm.s32 $0x5;
	s14 =	simm.s32 $0x3  }
0x8: {  	s15 =	simm.s32 $0x2000;
	s16 =	simm.s32 $0x1000;
	s17 =	simm.s32 $0x3000  }
0x9: {  	s18 =	simm.s32 $0x13000;
	s19 =	simm.s32 $0x6;
	s20 =	simm.s32 $0x4  }
0xa: {  	s21 =	simm.s32 $0x2800;
	s22 =	simm.s32 $0x1800;
	s23 =	simm.s32 $0xB000  }
0xb: {  	s24 =	simm.s32 $0x0;
	[smem:$0x7FF] =	sst s25;
	s5 =	sand.u32 $0x1, s5  }
.Ltmp0:
0xc: {  	s9 =	sshll.u32 s6, $0x1;
	s7 =	sadd.s32 $0xC00, s1;
	(pc) =	sbr.rel .LBB2_1-.Ltmp0, $4  }
0xd: {  	_ =	strace $0x8000004D;
	s8 =	ssub.s32 $0x2, s5;
	s5 =	sor.u32 s5, s9  }
0xe: {  	s10 =	sshrl.u32 s8, $0x1;
	s30 =	sshll.u32 s5, $0xC;
	s31 =	sshll.u32 s5, $0xB  }
0xf: {  	v3 =	vlaneseq.u32;
	v1 =	vimm.f32 $0.0e+00;
	s5 =	sshll.u32 s5, $0x6;
	s29 =	ssub.s32 s8, s10;
	s0 =	sadd.s32 s0, s31  }
0x10: {  	v2 =	vshrl.u32 v3, $0x2;
	v3 =	vand.u32 $0x3, v3;
	s12 =	sshrl.u32 s5, $0x2;
	v0 =	vmov s30;
	[dreg:$0x6] =	wrdreg s0;
	s9 =	smax.u32 s29, $0x1  }
.LBB2_13:
0x11: {  	s24 =	sadd.s32 $0x1, s24  }
0x12: {  	p0 =	sne.s32 s24, s9  }
.Ltmp1:
0x13: {  	s25 =	simm.s32 $0x0;
	s0 =	rddreg [dreg:$0x6];
	(pc) =	sbr.rel @!p0 .LBB2_14-.Ltmp1, $4  }
0x14: {  	[hbm4b:s0+s25] =	stream.linear.scatter [tilespmem:s18], [sflag:$0x9], $0x4000, $0x38;
	[tilespmem:$0x17200] =	vst v63  }
0x15: {  	_ =	swait.ge [sflag:s11], $0x4000  }
0x16: {  	[sflag:s11] =	ssyncset.done $0x0  }
0x17: {  	[sflag:s11] =	ssyncadd.s32 $0xFFFFC000  }
.LBB2_1:
0x18: {  	s0 =	simm.s32 $0x40;
	s5 =	simm.s32 $0x0  }
.LBB2_2:
0x19: {  	p0 =	sne.s32 s0, $0xFFC0;
	[tilespmem:s5+$0x13000] =	vst v1;
	s5 =	smov.u32 s0;
	s0 =	sadd.s32 $0x40, s0  }
.Ltmp2:
0x1a: {  	(pc) =	sbr.rel @p0 .LBB2_2-.Ltmp2, $2  }
0x1b: {  	_ =	sdelay $0x2  }
0x1c: {  	s5 =	sshra.s32 s5, $0x2  }
0x1d: {  	[tilespmem:s5+$0x13000] =	vst v1;
	s0 =	rddreg [dreg:$0x0];
	s1 =	simm.s32 $0x17000  }
0x1e: {  	[tilespmem:s1], [sflag:$0x9] =	stream.linear.gather [hbm4b:s0+s25], $0x200, $0x38;
	[tilespmem:$0x17200] =	vst v63  }
0x1f: {  	_ =	swait.ge [sflag:s11], $0x200  }
0x20: {  	[sflag:s11] =	ssyncset.done $0x0  }
0x21: {  	[sflag:s11] =	ssyncadd.s32 $0xFFFFFE00  }
0x22: {  	v4 =	vld [tilespmem:s12+$0x17000];
	_ =	sdelay $0x4  }
0x23: {  	(v2sf) =	vpush v4, $0x0;
	_ =	sdelay $0x6  }
0x24: {  	(v2sf) =	vpush v4, $0x1;
	_ =	sdelay $0x7  }
0x25: {  	s26 =	spop (v2sf)  }
0x26: {  	s30 =	sand.u32 $0x7FF, s26  }
0x27: {  	s10 =	sshra.s32 s26, $0x1F;
	p0 =	slt.s32 s26, $0x1;
	p1 =	sne.s32 s30, $0x0  }
0x28: {  	s31 =	sshrl.u32 s10, $0x15;
	p0 =	por !p0, !p1  }
0x29: {  	s5 =	simm.s32 $0x1;
	s0 =	sadd.s32 s31, s26;
	p0 =	por !p0, !p0  }
0x2a: {  	s0 =	sshra.s32 s0, $0xB;
	s5 =	simm.s32 @!p0 $0x0  }
0x2b: {  	s25 =	ssub.s32 s0, s5  }
0x2c: {  	s1 =	spop (v2sf);
	s5 =	sshll.u32 s25, $0xB  }
0x2d: {  	s0 =	ssub.s32 s1, s5  }
0x2e: {  	s0 =	sadd.s32 $0x7FF, s0  }
0x2f: {  	s6 =	sand.u32 $0x7FF, s0  }
0x30: {  	s26 =	sshra.s32 s0, $0x1F;
	p3 =	slt.s32 s0, $0x1;
	p4 =	sne.s32 s6, $0x0  }
0x31: {  	s8 =	sshrl.u32 s26, $0x15;
	p0 =	por !p3, !p4  }
0x32: {  	s10 =	simm.s32 $0x1;
	s0 =	sadd.s32 s8, s0;
	p0 =	por !p0, !p0  }
0x33: {  	s0 =	sshra.s32 s0, $0xB;
	s10 =	simm.s32 @!p0 $0x0  }
0x34: {  	s26 =	ssub.s32 s0, s10  }
0x35: {  	p0 =	slt.s32 s26, $0x1  }
0x36: {  	s0 =	sshrl.u32 @!p0 s5, $0x3  }
0x37: {  	s28 =	simm.s32 @!p0 $0x0;
	s10 =	sadd.s32 @!p0 s4, s0  }
0x38: {  	[tilespmem:s28], [sflag:$0x1] =	stream.linear.gather @!p0 [hbm4b:s10+s28], $0x800, $0x38;
	[tilespmem:$0x17200] =	vst v63  }
0x39: {  	s29 =	simm.s32 @!p0 $0x2000;
	p1 =	seq.s32 @!p0 s26, $0x1;
	s10 =	sadd.s32 @!p0 s2, s0  }
0x3a: {  	[tilespmem:s29], [sflag:$0x5] =	stream.linear.gather @!p0 [hbm4b:s10+s28], $0x800, $0x38;
	[tilespmem:$0x17200] =	vst v63  }
0x3b: {  	p1 =	por p1, p0;
	s0 =	sadd.s32 @!p0 s3, s0;
	s10 =	simm.s32 @!p0 $0x1000  }
0x3c: {  	[tilespmem:s10], [sflag:$0x3] =	stream.linear.gather @!p0 [hbm4b:s0+s28], $0x800, $0x38;
	[tilespmem:$0x17200] =	vst v63  }
0x3d: {  	s0 =	sadd.s32 @!p1 $0x800, s5  }
0x3e: {  	s0 =	sshrl.u32 @!p1 s0, $0x3  }
0x3f: {  	s5 =	simm.s32 @!p1 $0x0;
	s10 =	simm.s32 @!p1 $0x800;
	s0 =	sadd.s32 @!p1 s4, s0  }
0x40: {  	[tilespmem:s10], [sflag:$0x2] =	stream.linear.gather @!p1 [hbm4b:s0+s5], $0x800, $0x38;
	[tilespmem:$0x17200] =	vst v63  }
0x41: {  	s0 =	simm.s32 @!p0 $0x1  }
0x42: {  	p5 =	slt.s32 s26, $0x0;
	s10 =	sadd.s32 $0x1, s26;
	_ =	swait.ge @!p0 [sflag:s0], $0x800  }
0x43: {  	s5 =	simm.s32 @!p0 $0x3000;
	s30 =	sand.u32 $0x1, s10;
	[sflag:s0] =	ssyncset.done @!p0 $0x0  }
0x44: {  	p6 =	seq.s32 s30, $0x1;
	[sflag:s0] =	ssyncadd.s32 @!p0 $0xFFFFF800;
	s0 =	simm.s32 @!p0 $0x800  }
0x45: {  	[tilespmem:s5], [sflag:$0x7] =	stream.indirect.gather @!p0 [hbm4b:s7+s0], $0x10, s28, s0, $0xb8;
	[tilespmem:$0x17200] =	vst v63  }
0x46: {  	s31 =	sshrl.u32 s10, $0x1F;
	p0 =	por !p5, !p6  }
0x47: {  	s0 =	sadd.s32 s31, s10;
	s5 =	simm.s32 $0x1;
	p0 =	por !p0, !p0  }
0x48: {  	s0 =	sshra.s32 s0, $0x1;
	s5 =	simm.s32 @!p0 $0x0  }
0x49: {  	s28 =	ssub.s32 s0, s5  }
0x4a: {  	p0 =	slt.s32 s28, $0x1  }
.Ltmp3:
0x4b: {  	_ = 	snop;
	(pc) =	sbr.rel @!p0 .LBB2_4-.Ltmp3, $4  }
.Ltmp4:
0x4c: {  	_ = 	snop;
	(pc) =	sbr.rel @p0 .LBB2_13-.Ltmp4, $4  }
0x4d: {  	_ = 	snop  }
0x4e: {  	_ = 	snop  }
0x4f: {  	s29 =	simm.s32 $0x0  }
0x50: {  	_ = 	snop  }
.LBB2_12:
0x51: {  	s29 =	sadd.s32 $0x1, s29  }
0x52: {  	p0 =	sne.s32 s29, s28  }
.Ltmp5:
0x53: {  	_ = 	snop;
	(pc) =	sbr.rel @!p0 .LBB2_13-.Ltmp5, $1  }
0x54: {  	_ =	sdelay $0x3  }
.LBB2_4:
0x55: {  	s0 =	sshllo.u32 s29, $0x1  }
0x56: {  	p0 =	sge.s32 s0, s26  }
0x57: {  	s5 =	simm.s32 @!p0 $0x2  }
0x58: {  	s0 =	sadd.s32 @!p0 s25, s0;
	_ =	swait.ge @!p0 [sflag:s5], $0x800  }
0x59: {  	s10 =	simm.s32 @!p0 $0xB000;
	s0 =	sshll.u32 @!p0 s0, $0x8;
	[sflag:s5] =	ssyncset.done @!p0 $0x0  }
0x5a: {  	s0 =	sand.u32 @!p0 $0x1FFFFF00, s0;
	[sflag:s5] =	ssyncadd.s32 @!p0 $0xFFFFF800;
	s5 =	simm.s32 @!p0 $0x800  }
0x5b: {  	[tilespmem:s10], [sflag:$0x8] =	stream.indirect.gather @!p0 [hbm4b:s7+s5], $0x10, s5, s5, $0xb8;
	[tilespmem:$0x17200] =	vst v63  }
0x5c: {  	s30 =	simm.s32 @!p0 $0x2800;
	s5 =	sadd.s32 @!p0 s2, s0;
	s10 =	simm.s32 @!p0 $0x0  }
0x5d: {  	[tilespmem:s30], [sflag:$0x6] =	stream.linear.gather @!p0 [hbm4b:s5+s10], $0x800, $0x38;
	[tilespmem:$0x17200] =	vst v63  }
0x5e: {  	s0 =	sadd.s32 @!p0 s3, s0;
	s30 =	sshll.u32 s29, $0x1;
	s5 =	simm.s32 @!p0 $0x1800  }
0x5f: {  	[tilespmem:s5], [sflag:$0x4] =	stream.linear.gather @!p0 [hbm4b:s0+s10], $0x800, $0x38;
	[tilespmem:$0x17200] =	vst v63  }
0x60: {  	s0 =	sadd.s32 $0x2, s30  }
0x61: {  	p2 =	sge.s32 s30, s26;
	p1 =	sge.s32 s0, s26  }
.Ltmp6:
0x62: {  	s5 =	simm.s32 @!p2 $0x7;
	s0 =	sadd.s32 @!p1 s25, s0;
	(pc) =	sbr.rel @p2 .LBB2_8-.Ltmp6, $4  }
0x63: {  	_ =	swait.ge @!p2 [sflag:s5], $0x8000;
	s0 =	sshll.u32 @!p1 s0, $0x8  }
0x64: {  	[sflag:s5] =	ssyncset.done @!p2 $0x0;
	s31 =	sand.u32 @!p1 $0x1FFFFF00, s0  }
0x65: {  	[sflag:s5] =	ssyncadd.s32 @!p2 $0xFFFF8000;
	s0 =	simm.s32 @!p1 $0x0;
	s5 =	sadd.s32 @!p1 s4, s31  }
0x66: {  	[tilespmem:s0], [sflag:$0x1] =	stream.linear.gather @!p1 [hbm4b:s5+s0], $0x800, $0x38;
	[tilespmem:$0x17200] =	vst v63  }
0x67: {  	_ =	swait.ge [sflag:s13], $0x800;
	s5 =	simm.s32 $0x1C  }
0x68: {  	s10 =	simm.s32 $0x18;
	[sflag:s13] =	ssyncset.done $0x0;
	v4 =	vor.u32 s5, v2  }
0x69: {  	s8 =	simm.s32 $0x4;
	v5 =	vor.u32 s10, v2;
	[sflag:s13] =	ssyncadd.s32 $0xFFFFF800  }
0x6a: {  	s1 =	simm.s32 $0x0;
	v6 =	vor.u32 s8, v2;
	_ =	swait.ge [sflag:s14], $0x800  }
0x6b: {  	s6 =	simm.s32 $0x8;
	v7 =	vor.u32 s1, v2;
	[sflag:s14] =	ssyncset.done $0x0  }
0x6c: {  	v8 =	vor.u32 s6, v2;
	[sflag:s14] =	ssyncadd.s32 $0xFFFFF800  }
0x6d: {  	v10 =	vld.idx.msk [tilespmem:v4+s16+$0x0], $0xffff  }
0x6e: {  	v11 =	vld.idx.msk [tilespmem:v5+s16+$0x0], $0xffff  }
0x6f: {  	v13 =	vld.idx.msk [tilespmem:v6+s16+$0x0], $0xffff  }
0x70: {  	s8 =	simm.s32 $0xC;
	v15 =	vld.idx.msk [tilespmem:v7+s16+$0x0], $0xffff  }
0x71: {  	s10 =	simm.s32 $0x10;
	v12 =	vor.u32 s8, v2;
	v18 =	vld.idx.msk [tilespmem:v8+s16+$0x0], $0xffff  }
0x72: {  	v9 =	vshll.u32 v5, $0x4;
	v14 =	vor.u32 s10, v2;
	v5 =	vld.idx.msk [tilespmem:v5+s15+$0x0], $0xffff  }
0x73: {  	v17 =	vshll.u32 v7, $0x4;
	v9 =	vor.u32 v3, v9;
	v7 =	vld.idx.msk [tilespmem:v7+s15+$0x0], $0xffff  }
0x74: {  	v19 =	vshll.u32 v6, $0x4;
	v17 =	vor.u32 v3, v17;
	v6 =	vld.idx.msk [tilespmem:v6+s15+$0x0], $0xffff  }
0x75: {  	v20 =	vshll.u32 v8, $0x4;
	v19 =	vor.u32 v3, v19;
	v8 =	vld.idx.msk [tilespmem:v8+s15+$0x0], $0xffff  }
0x76: {  	s1 =	simm.s32 $0x14;
	v20 =	vor.u32 v3, v20;
	v22 =	vld.idx.msk [tilespmem:v12+s16+$0x0], $0xffff  }
0x77: {  	v16 =	vor.u32 s1, v2;
	v23 =	vld.idx.msk [tilespmem:v14+s16+$0x0], $0xffff  }
0x78: {  	v9 =	vld.idx.msk [tilespmem:v9+s17+$0x0], $0xffff  }
0x79: {  	v17 =	vld.idx.msk [tilespmem:v17+s17+$0x0], $0xffff  }
0x7a: {  	v27 =	vshll.u32 v4, $0x4;
	v19 =	vld.idx.msk [tilespmem:v19+s17+$0x0], $0xffff  }
0x7b: {  	v21 =	vshll.u32 v12, $0x4;
	v24 =	vshll.u32 v14, $0x4;
	v20 =	vld.idx.msk [tilespmem:v20+s17+$0x0], $0xffff;
	v11 =	vsub.s32 v11, v0  }
0x7c: {  	v21 =	vor.u32 v3, v21;
	v25 =	vld.idx.msk [tilespmem:v16+s16+$0x0], $0xffff;
	vm0 =	vlt.u32 v11, $0x1000;
	v11 =	vshll.u32 v11, $0x2  }
0x7d: {  	v26 =	vshll.u32 v16, $0x4;
	v27 =	vor.u32 v3, v27;
	v12 =	vld.idx.msk [tilespmem:v12+s15+$0x0], $0xffff;
	v11 =	vor.u32 v3, v11  }
0x7e: {  	v24 =	vor.u32 v3, v24;
	v26 =	vor.u32 v3, v26;
	v14 =	vld.idx.msk [tilespmem:v14+s15+$0x0], $0xffff;
	v13 =	vsub.s32 v13, v0  }
0x7f: {  	s1 =	simm.s32 $0x24;
	v16 =	vld.idx.msk [tilespmem:v16+s15+$0x0], $0xffff;
	v15 =	vsub.s32 v15, v0;
	v5 =	vmul.f32 v9, v5;
	v7 =	vmul.f32 v17, v7  }
0x80: {  	v17 =	vld.idx.msk [tilespmem:v4+s15+$0x0], $0xffff;
	v4 =	vmul.f32 v19, v6;
	v6 =	vmul.f32 v20, v8;
	v8 =	vor.u32 s1, v2  }
0x81: {  	v18 =	vsub.s32 v18, v0;
	vm1 =	vlt.u32 v13, $0x1000;
	v9 =	vld.idx.msk [tilespmem:v21+s17+$0x0], $0xffff;
	v28 =	vshll.u32 v8, $0x4  }
0x82: {  	v28 =	vor.u32 v3, v28;
	[tilespmem:v11+s18+$0x0] =	vst.idx.add.f32.msk vm0, v5;
	vm0 =	vlt.u32 v15, $0x1000;
	v15 =	vshll.u32 v15, $0x2  }
0x83: {  	vm2 =	vlt.u32 v18, $0x1000;
	v5 =	vld.idx.msk [tilespmem:v24+s17+$0x0], $0xffff;
	v24 =	vshll.u32 v13, $0x2;
	v15 =	vor.u32 v3, v15  }
0x84: {  	v21 =	vld.idx.msk [tilespmem:v27+s17+$0x0], $0xffff;
	v13 =	vshll.u32 v18, $0x2;
	v18 =	vsub.s32 v22, v0;
	v24 =	vor.u32 v3, v24  }
0x85: {  	v11 =	vld.idx.msk [tilespmem:v26+s17+$0x0], $0xffff;
	v13 =	vor.u32 v3, v13;
	vm3 =	vlt.u32 v18, $0x1000;
	v18 =	vshll.u32 v18, $0x2  }
0x86: {  	s6 =	simm.s32 $0x3C;
	v19 =	vld.idx.msk [tilespmem:v8+s16+$0x0], $0xffff;
	v18 =	vor.u32 v3, v18  }
0x87: {  	s8 =	simm.s32 $0x38;
	v26 =	vor.u32 s6, v2;
	v28 =	vld.idx.msk [tilespmem:v28+s17+$0x0], $0xffff  }
0x88: {  	s6 =	simm.s32 $0x20;
	[tilespmem:v15+s18+$0x0] =	vst.idx.add.f32.msk vm0, v7;
	v7 =	vor.u32 s8, v2  }
0x89: {  	[tilespmem:v24+s18+$0x0] =	vst.idx.add.f32.msk vm1, v4;
	v4 =	vmul.f32 v9, v12;
	v12 =	vor.u32 s6, v2  }
0x8a: {  	[tilespmem:v13+s18+$0x0] =	vst.idx.add.f32.msk vm2, v6  }
0x8b: {  	[tilespmem:v18+s18+$0x0] =	vst.idx.add.f32.msk vm3, v4;
	v4 =	vshll.u32 v7, $0x4  }
0x8c: {  	s8 =	simm.s32 $0x28;
	v9 =	vld.idx.msk [tilespmem:v26+s16+$0x0], $0xffff;
	v15 =	vor.u32 v3, v4  }
0x8d: {  	v13 =	vor.u32 s8, v2;
	v4 =	vsub.s32 v10, v0;
	v10 =	vshll.u32 v12, $0x4;
	v6 =	vld.idx.msk [tilespmem:v7+s16+$0x0], $0xffff  }
0x8e: {  	v23 =	vsub.s32 v23, v0;
	s6 =	simm.s32 $0x30;
	v10 =	vor.u32 v3, v10;
	v22 =	vld.idx.msk [tilespmem:v12+s16+$0x0], $0xffff  }
0x8f: {  	s1 =	simm.s32 $0x2C;
	v35 =	vmul.f32 v5, v14;
	vm2 =	vlt.u32 v23, $0x1000;
	s8 =	simm.s32 $0x34;
	v20 =	vor.u32 s6, v2;
	v7 =	vld.idx.msk [tilespmem:v7+s15+$0x0], $0xffff  }
0x90: {  	v18 =	vor.u32 s1, v2;
	v24 =	vor.u32 s8, v2;
	v29 =	vshll.u32 v13, $0x4;
	v12 =	vld.idx.msk [tilespmem:v12+s15+$0x0], $0xffff  }
0x91: {  	v33 =	vshll.u32 v20, $0x4;
	vm3 =	vmmov vm2;
	v30 =	vshll.u32 v18, $0x4;
	v15 =	vld.idx.msk [tilespmem:v15+s17+$0x0], $0xffff  }
0x92: {  	v29 =	vor.u32 v3, v29;
	v5 =	vshll.u32 v24, $0x4;
	v27 =	vld.idx.msk [tilespmem:v13+s16+$0x0], $0xffff;
	v6 =	vsub.s32 v6, v0  }
0x93: {  	v33 =	vor.u32 v3, v33;
	v36 =	vld.idx.msk [tilespmem:v10+s17+$0x0], $0xffff;
	vm1 =	vlt.u32 v6, $0x1000;
	v6 =	vshll.u32 v6, $0x2  }
0x94: {  	vm0 =	vlt.u32 v4, $0x1000;
	v4 =	vshll.u32 v4, $0x2;
	v32 =	vld.idx.msk [tilespmem:v20+s16+$0x0], $0xffff;
	v6 =	vor.u32 v3, v6  }
0x95: {  	v30 =	vor.u32 v3, v30;
	v4 =	vor.u32 v3, v4;
	v63 =	vld.idx.msk [tilespmem:v13+s15+$0x0], $0xffff;
	v10 =	vshll.u32 v26, $0x4  }
0x96: {  	v31 =	vld.idx.msk [tilespmem:v18+s16+$0x0], $0xffff;
	v7 =	vmul.f32 v15, v7;
	v15 =	vor.u32 v3, v5;
	v5 =	vsub.s32 v25, v0  }
0x97: {  	v34 =	vld.idx.msk [tilespmem:v24+s16+$0x0], $0xffff;
	v25 =	vor.u32 v3, v10;
	v10 =	vshll.u32 v23, $0x2;
	vm4 =	vlt.u32 v5, $0x1000  }
0x98: {  	v29 =	vld.idx.msk [tilespmem:v29+s17+$0x0], $0xffff;
	v5 =	vshll.u32 v5, $0x2;
	v23 =	vor.u32 v3, v10;
	v12 =	vmul.f32 v36, v12  }
0x99: {  	v5 =	vor.u32 v3, v5;
	vm2 =	vmmov vm4;
	[tilespmem:v6+s18+$0x0] =	vst.idx.add.f32.msk vm1, v7;
	v7 =	vmul.f32 v11, v16  }
0x9a: {  	v14 =	vld.idx.msk [tilespmem:v30+s17+$0x0], $0xffff;
	v6 =	vmul.f32 v21, v17;
	v11 =	vsub.s32 v9, v0;
	vm1 =	vmmov vm0  }
0x9b: {  	v16 =	vsub.s32 v19, v0;
	v17 =	vsub.s32 v22, v0;
	v21 =	vsub.s32 v27, v0;
	v22 =	vld.idx.msk [tilespmem:v18+s15+$0x0], $0xffff  }
0x9c: {  	v18 =	vsub.s32 v32, v0;
	vm0 =	vlt.u32 v11, $0x1000;
	v10 =	vld.idx.msk [tilespmem:v15+s17+$0x0], $0xffff;
	v15 =	vshll.u32 v11, $0x2  }
0x9d: {  	v9 =	vld.idx.msk [tilespmem:v33+s17+$0x0], $0xffff;
	v19 =	vshll.u32 v16, $0x2;
	vm8 =	vlt.u32 v17, $0x1000;
	v17 =	vshll.u32 v17, $0x2  }
0x9e: {  	v27 =	vld.idx.msk [tilespmem:v8+s15+$0x0], $0xffff;
	vm6 =	vlt.u32 v16, $0x1000;
	v8 =	vshll.u32 v21, $0x2;
	vm5 =	vlt.u32 v21, $0x1000  }
0x9f: {  	v11 =	vld.idx.msk [tilespmem:v25+s17+$0x0], $0xffff;
	v21 =	vsub.s32 v34, v0;
	vm9 =	vlt.u32 v18, $0x1000;
	v25 =	vor.u32 v3, v17  }
0xa0: {  	v16 =	vld.idx.msk [tilespmem:v24+s15+$0x0], $0xffff;
	v19 =	vor.u32 v3, v19;
	v17 =	vor.u32 v3, v8;
	v8 =	vsub.s32 v31, v0  }
0xa1: {  	v13 =	vor.u32 v3, v15;
	v15 =	vld.idx.msk [tilespmem:v20+s15+$0x0], $0xffff;
	vm7 =	vlt.u32 v8, $0x1000;
	v8 =	vshll.u32 v8, $0x2  }
0xa2: {  	v24 =	vshll.u32 v21, $0x2;
	vm4 =	vlt.u32 v21, $0x1000;
	[tilespmem:v23+s18+$0x0] =	vst.idx.add.f32.msk vm3, v35;
	v20 =	vor.u32 v3, v8  }
0xa3: {  	v21 =	vor.u32 v3, v24;
	v8 =	vshll.u32 v18, $0x2;
	v18 =	vld.idx.msk [tilespmem:v26+s15+$0x0], $0xffff;
	v24 =	vmul.f32 v28, v27  }
0xa4: {  	s5 =	simm.s32 $0x8;
	s10 =	simm.s32 $0x5C;
	vm3 =	vmmov vm9;
	v23 =	vmul.f32 v29, v63;
	v8 =	vor.u32 v3, v8;
	[tilespmem:v25+s18+$0x0] =	vst.idx.add.f32.msk vm8, v12  }
.LBB2_6:
0xa5: {  	s1 =	sadd.s32 $0xFFFFFFE8, s10;
	s6 =	sadd.s32 $0xFFFFFFFC, s10;
	v12 =	vor.u32 s10, v2;
	s5 =	sadd.s32 $0x8, s5;
	[tilespmem:v19+s18+$0x0] =	vst.idx.add.f32.msk vm6, v24;
	v14 =	vmul.f32 v14, v22  }
0xa6: {  	s8 =	sadd.s32 $0xFFFFFFF0, s10;
	v22 =	vor.u32 s1, v2;
	s1 =	sadd.s32 $0xFFFFFFEC, s10;
	v19 =	vor.u32 s6, v2;
	v24 =	vshll.u32 v12, $0x4;
	p2 =	slt.u32 s5, $0x1F8;
	[tilespmem:v17+s18+$0x0] =	vst.idx.add.f32.msk vm5, v23  }
0xa7: {  	s6 =	sadd.s32 $0xFFFFFFE4, s10;
	v25 =	vor.u32 s8, v2;
	s8 =	sadd.s32 $0xFFFFFFF8, s10;
	v17 =	vshll.u32 v22, $0x4;
	v23 =	vor.u32 s1, v2;
	s1 =	sadd.s32 $0xFFFFFFF4, s10;
	[tilespmem:v20+s18+$0x0] =	vst.idx.add.f32.msk vm7, v14  }
0xa8: {  	v26 =	vor.u32 s6, v2;
	v28 =	vor.u32 s8, v2;
	v27 =	vor.u32 s1, v2;
	[tilespmem:v5+s18+$0x0] =	vst.idx.add.f32.msk vm2, v7;
	v5 =	vmovc v21  }
0xa9: {  	v20 =	vshll.u32 v25, $0x4;
	v7 =	vshll.u32 v26, $0x4;
	v14 =	vshll.u32 v23, $0x4;
	[tilespmem:v4+s18+$0x0] =	vst.idx.add.f32.msk vm1, v6;
	v4 =	vmovc v13  }
0xaa: {  	v21 =	vshll.u32 v19, $0x4;
	v6 =	vshll.u32 v27, $0x4;
	v13 =	vshll.u32 v28, $0x4;
	v29 =	vld.idx.msk [tilespmem:v12+s16+$0x0], $0xffff  }
0xab: {  	v17 =	vor.u32 v3, v17;
	v30 =	vor.u32 v3, v7;
	v21 =	vor.u32 v3, v21;
	v31 =	vld.idx.msk [tilespmem:v19+s16+$0x0], $0xffff  }
0xac: {  	v20 =	vor.u32 v3, v20;
	v14 =	vor.u32 v3, v14;
	v33 =	vor.u32 v3, v6;
	v32 =	vld.idx.msk [tilespmem:v22+s16+$0x0], $0xffff  }
0xad: {  	v36 =	vmul.f32 v9, v15;
	v24 =	vor.u32 v3, v24;
	v35 =	vor.u32 v3, v13;
	v34 =	vld.idx.msk [tilespmem:v26+s16+$0x0], $0xffff  }
0xae: {  	v7 =	vmul.f32 v10, v16;
	vm1 =	vmmov vm0;
	v6 =	vmul.f32 v11, v18;
	v9 =	vld.idx.msk [tilespmem:v23+s16+$0x0], $0xffff  }
0xaf: {  	vm2 =	vmmov vm4;
	v10 =	vld.idx.msk [tilespmem:v19+s15+$0x0], $0xffff  }
0xb0: {  	v13 =	vsub.s32 v29, v0;
	v11 =	vld.idx.msk [tilespmem:v21+s17+$0x0], $0xffff  }
0xb1: {  	v16 =	vsub.s32 v31, v0;
	vm0 =	vlt.u32 v13, $0x1000;
	v13 =	vshll.u32 v13, $0x2;
	v15 =	vld.idx.msk [tilespmem:v25+s16+$0x0], $0xffff  }
0xb2: {  	v18 =	vsub.s32 v32, v0;
	vm4 =	vlt.u32 v16, $0x1000;
	v16 =	vshll.u32 v16, $0x2;
	v21 =	vld.idx.msk [tilespmem:v27+s16+$0x0], $0xffff  }
0xb3: {  	v19 =	vsub.s32 v34, v0;
	v29 =	vshll.u32 v18, $0x2;
	v16 =	vor.u32 v3, v16;
	v31 =	vld.idx.msk [tilespmem:v28+s16+$0x0], $0xffff  }
0xb4: {  	vm8 =	vlt.u32 v19, $0x1000;
	v19 =	vshll.u32 v19, $0x2;
	v9 =	vsub.s32 v9, v0;
	v30 =	vld.idx.msk [tilespmem:v30+s17+$0x0], $0xffff  }
0xb5: {  	vm6 =	vlt.u32 v18, $0x1000;
	v32 =	vor.u32 v3, v19;
	v34 =	vld.idx.msk [tilespmem:v17+s17+$0x0], $0xffff;
	v17 =	vshll.u32 v9, $0x2  }
0xb6: {  	v19 =	vor.u32 v3, v29;
	vm5 =	vlt.u32 v9, $0x1000;
	v9 =	vmul.f32 v11, v10;
	v29 =	vld.idx.msk [tilespmem:v14+s17+$0x0], $0xffff  }
0xb7: {  	v13 =	vor.u32 v3, v13;
	v17 =	vor.u32 v3, v17;
	v10 =	vsub.s32 v15, v0;
	v14 =	vld.idx.msk [tilespmem:v20+s17+$0x0], $0xffff  }
0xb8: {  	vm7 =	vlt.u32 v10, $0x1000;
	v10 =	vshll.u32 v10, $0x2;
	v11 =	vsub.s32 v21, v0;
	[tilespmem:v16+s18+$0x0] =	vst.idx.add.f32.msk vm4, v9  }
0xb9: {  	v20 =	vor.u32 v3, v10;
	v10 =	vshll.u32 v11, $0x2;
	v15 =	vsub.s32 v31, v0;
	v9 =	vld.idx.msk [tilespmem:v33+s17+$0x0], $0xffff  }
0xba: {  	vm9 =	vlt.u32 v11, $0x1000;
	v31 =	vor.u32 v3, v10;
	v11 =	vshll.u32 v15, $0x2;
	v10 =	vld.idx.msk [tilespmem:v35+s17+$0x0], $0xffff  }
0xbb: {  	vm4 =	vlt.u32 v15, $0x1000;
	v21 =	vor.u32 v3, v11;
	v11 =	vld.idx.msk [tilespmem:v24+s17+$0x0], $0xffff  }
0xbc: {  	v18 =	vld.idx.msk [tilespmem:v26+s15+$0x0], $0xffff  }
0xbd: {  	v24 =	vld.idx.msk [tilespmem:v22+s15+$0x0], $0xffff  }
0xbe: {  	v23 =	vld.idx.msk [tilespmem:v23+s15+$0x0], $0xffff  }
0xbf: {  	v22 =	vld.idx.msk [tilespmem:v25+s15+$0x0], $0xffff  }
.Ltmp7:
0xc0: {  	v15 =	vld.idx.msk [tilespmem:v27+s15+$0x0], $0xffff;
	(pc) =	sbr.rel @p2 .LBB2_6-.Ltmp7, $4  }
0xc1: {  	v16 =	vld.idx.msk [tilespmem:v28+s15+$0x0], $0xffff  }
0xc2: {  	v25 =	vmul.f32 v30, v18;
	v18 =	vld.idx.msk [tilespmem:v12+s15+$0x0], $0xffff  }
0xc3: {  	v24 =	vmul.f32 v34, v24;
	[tilespmem:v8+s18+$0x0] =	vst.idx.add.f32.msk vm3, v36;
	v8 =	vmov v31;
	vm3 =	vmmov vm9  }
0xc4: {  	s10 =	sadd.s32 $0x20, s10;
	v23 =	vmul.f32 v29, v23;
	[tilespmem:v32+s18+$0x0] =	vst.idx.add.f32.msk vm8, v25  }
0xc5: {  	_ =	sdelay $0x4  }
0xc6: {  	[tilespmem:v19+s18+$0x0] =	vst.idx.add.f32.msk vm6, v24;
	vm4 =	vmmov vm4  }
0xc7: {  	vm0 =	vmmov vm0;
	[tilespmem:v5+s18+$0x0] =	vst.idx.add.f32.msk vm2, v7  }
0xc8: {  	v12 =	vmul.f32 v14, v22;
	[tilespmem:v4+s18+$0x0] =	vst.idx.add.f32.msk vm1, v6  }
0xc9: {  	v5 =	vmul.f32 v9, v15;
	[tilespmem:v17+s18+$0x0] =	vst.idx.add.f32.msk vm5, v23  }
0xca: {  	v4 =	vmul.f32 v10, v16;
	[tilespmem:v20+s18+$0x0] =	vst.idx.add.f32.msk vm7, v12  }
0xcb: {  	v63 =	vmul.f32 v11, v18;
	[tilespmem:v8+s18+$0x0] =	vst.idx.add.f32.msk vm3, v5  }
0xcc: {  	[tilespmem:v21+s18+$0x0] =	vst.idx.add.f32.msk vm4, v4  }
0xcd: {  	[tilespmem:v13+s18+$0x0] =	vst.idx.add.f32.msk vm0, v63  }
.LBB2_8:
0xce: {  	s1 =	simm.s32 @!p1 $0x1  }
0xcf: {  	_ =	swait.ge @!p1 [sflag:s1], $0x800  }
0xd0: {  	[sflag:s1] =	ssyncset.done @!p1 $0x0  }
0xd1: {  	s5 =	simm.s32 @!p1 $0x3000;
	[sflag:s1] =	ssyncadd.s32 @!p1 $0xFFFFF800;
	s1 =	simm.s32 @!p1 $0x800  }
0xd2: {  	[tilespmem:s5], [sflag:$0x7] =	stream.indirect.gather @!p1 [hbm4b:s7+s1], $0x10, s0, s1, $0xb8;
	[tilespmem:$0x17200] =	vst v63  }
0xd3: {  	s1 =	sadd.s32 @!p1 s2, s31;
	s5 =	simm.s32 @!p1 $0x2000  }
0xd4: {  	[tilespmem:s5], [sflag:$0x5] =	stream.linear.gather @!p1 [hbm4b:s1+s0], $0x800, $0x38;
	[tilespmem:$0x17200] =	vst v63  }
0xd5: {  	s1 =	sadd.s32 @!p1 s3, s31;
	s5 =	simm.s32 @!p1 $0x1000  }
0xd6: {  	[tilespmem:s5], [sflag:$0x3] =	stream.linear.gather @!p1 [hbm4b:s1+s0], $0x800, $0x38;
	[tilespmem:$0x17200] =	vst v63  }
0xd7: {  	s0 =	sadd.s32 $0x3, s30  }
0xd8: {  	p1 =	sge.s32 s0, s26  }
.Ltmp8:
0xd9: {  	s1 =	simm.s32 @!p0 $0x8;
	s0 =	sadd.s32 @!p1 s25, s0;
	(pc) =	sbr.rel @p0 .LBB2_12-.Ltmp8, $4  }
0xda: {  	_ =	swait.ge @!p0 [sflag:s1], $0x8000;
	s0 =	sshll.u32 @!p1 s0, $0x8  }
0xdb: {  	[sflag:s1] =	ssyncset.done @!p0 $0x0;
	s5 =	simm.s32 @!p1 $0x800;
	s0 =	sand.u32 @!p1 $0x1FFFFF00, s0  }
0xdc: {  	[sflag:s1] =	ssyncadd.s32 @!p0 $0xFFFF8000;
	s1 =	simm.s32 @!p1 $0x0;
	s0 =	sadd.s32 @!p1 s4, s0  }
0xdd: {  	[tilespmem:s5], [sflag:$0x2] =	stream.linear.gather @!p1 [hbm4b:s0+s1], $0x800, $0x38;
	[tilespmem:$0x17200] =	vst v63  }
0xde: {  	_ =	swait.ge [sflag:s19], $0x800;
	s0 =	simm.s32 $0x1C  }
0xdf: {  	s1 =	simm.s32 $0x18;
	[sflag:s19] =	ssyncset.done $0x0;
	v4 =	vor.u32 s0, v2  }
0xe0: {  	s31 =	simm.s32 $0x4;
	v5 =	vor.u32 s1, v2;
	[sflag:s19] =	ssyncadd.s32 $0xFFFFF800  }
0xe1: {  	s5 =	simm.s32 $0x8;
	v6 =	vor.u32 s31, v2;
	_ =	swait.ge [sflag:s20], $0x800  }
0xe2: {  	v8 =	vor.u32 s5, v2;
	[sflag:s20] =	ssyncset.done $0x0  }
0xe3: {  	s6 =	simm.s32 $0xC;
	[sflag:s20] =	ssyncadd.s32 $0xFFFFF800  }
0xe4: {  	s8 =	simm.s32 $0x10;
	v12 =	vor.u32 s6, v2;
	v10 =	vld.idx.msk [tilespmem:v4+s22+$0x0], $0xffff  }
0xe5: {  	v14 =	vor.u32 s8, v2;
	v11 =	vld.idx.msk [tilespmem:v5+s22+$0x0], $0xffff  }
0xe6: {  	v13 =	vld.idx.msk [tilespmem:v6+s22+$0x0], $0xffff  }
0xe7: {  	s1 =	simm.s32 $0x0;
	v18 =	vld.idx.msk [tilespmem:v8+s22+$0x0], $0xffff  }
0xe8: {  	v7 =	vor.u32 s1, v2;
	v9 =	vshll.u32 v5, $0x4;
	v5 =	vld.idx.msk [tilespmem:v5+s21+$0x0], $0xffff  }
0xe9: {  	v22 =	vld.idx.msk [tilespmem:v12+s22+$0x0], $0xffff  }
0xea: {  	v19 =	vshll.u32 v6, $0x4;
	v9 =	vor.u32 v3, v9;
	v23 =	vld.idx.msk [tilespmem:v14+s22+$0x0], $0xffff  }
0xeb: {  	v17 =	vshll.u32 v7, $0x4;
	v19 =	vor.u32 v3, v19;
	v6 =	vld.idx.msk [tilespmem:v6+s21+$0x0], $0xffff  }
0xec: {  	v20 =	vshll.u32 v8, $0x4;
	v17 =	vor.u32 v3, v17;
	v8 =	vld.idx.msk [tilespmem:v8+s21+$0x0], $0xffff  }
0xed: {  	s10 =	simm.s32 $0x14;
	v20 =	vor.u32 v3, v20;
	v15 =	vld.idx.msk [tilespmem:v7+s22+$0x0], $0xffff  }
0xee: {  	v16 =	vor.u32 s10, v2;
	v7 =	vld.idx.msk [tilespmem:v7+s21+$0x0], $0xffff  }
0xef: {  	v9 =	vld.idx.msk [tilespmem:v9+s23+$0x0], $0xffff  }
0xf0: {  	v19 =	vld.idx.msk [tilespmem:v19+s23+$0x0], $0xffff  }
0xf1: {  	v21 =	vshll.u32 v12, $0x4;
	v17 =	vld.idx.msk [tilespmem:v17+s23+$0x0], $0xffff  }
0xf2: {  	v24 =	vshll.u32 v14, $0x4;
	v26 =	vshll.u32 v16, $0x4;
	v20 =	vld.idx.msk [tilespmem:v20+s23+$0x0], $0xffff;
	v11 =	vsub.s32 v11, v0  }
0xf3: {  	v21 =	vor.u32 v3, v21;
	v25 =	vld.idx.msk [tilespmem:v16+s22+$0x0], $0xffff;
	vm0 =	vlt.u32 v11, $0x1000;
	v11 =	vshll.u32 v11, $0x2  }
0xf4: {  	v27 =	vshll.u32 v4, $0x4;
	v24 =	vor.u32 v3, v24;
	v12 =	vld.idx.msk [tilespmem:v12+s21+$0x0], $0xffff;
	v11 =	vor.u32 v3, v11  }
0xf5: {  	v26 =	vor.u32 v3, v26;
	v27 =	vor.u32 v3, v27;
	v14 =	vld.idx.msk [tilespmem:v14+s21+$0x0], $0xffff;
	v13 =	vsub.s32 v13, v0  }
0xf6: {  	s5 =	simm.s32 $0x24;
	v16 =	vld.idx.msk [tilespmem:v16+s21+$0x0], $0xffff;
	v18 =	vsub.s32 v18, v0;
	v5 =	vmul.f32 v9, v5;
	v7 =	vmul.f32 v17, v7  }
0xf7: {  	v17 =	vld.idx.msk [tilespmem:v4+s21+$0x0], $0xffff;
	v4 =	vmul.f32 v19, v6;
	v6 =	vmul.f32 v20, v8;
	v8 =	vor.u32 s5, v2  }
0xf8: {  	v15 =	vsub.s32 v15, v0;
	vm1 =	vlt.u32 v13, $0x1000;
	v9 =	vld.idx.msk [tilespmem:v21+s23+$0x0], $0xffff;
	v28 =	vshll.u32 v8, $0x4  }
0xf9: {  	v28 =	vor.u32 v3, v28;
	[tilespmem:v11+s18+$0x0] =	vst.idx.add.f32.msk vm0, v5;
	vm0 =	vlt.u32 v15, $0x1000;
	v15 =	vshll.u32 v15, $0x2  }
0xfa: {  	vm2 =	vlt.u32 v18, $0x1000;
	v5 =	vld.idx.msk [tilespmem:v24+s23+$0x0], $0xffff;
	v24 =	vshll.u32 v13, $0x2;
	v15 =	vor.u32 v3, v15  }
0xfb: {  	v21 =	vld.idx.msk [tilespmem:v27+s23+$0x0], $0xffff;
	v13 =	vshll.u32 v18, $0x2;
	v18 =	vsub.s32 v22, v0;
	v24 =	vor.u32 v3, v24  }
0xfc: {  	v11 =	vld.idx.msk [tilespmem:v26+s23+$0x0], $0xffff;
	v13 =	vor.u32 v3, v13;
	vm3 =	vlt.u32 v18, $0x1000;
	v18 =	vshll.u32 v18, $0x2  }
0xfd: {  	s30 =	simm.s32 $0x3C;
	v19 =	vld.idx.msk [tilespmem:v8+s22+$0x0], $0xffff;
	v18 =	vor.u32 v3, v18  }
0xfe: {  	s31 =	simm.s32 $0x38;
	v26 =	vor.u32 s30, v2;
	v28 =	vld.idx.msk [tilespmem:v28+s23+$0x0], $0xffff  }
0xff: {  	s30 =	simm.s32 $0x30;
	[tilespmem:v15+s18+$0x0] =	vst.idx.add.f32.msk vm0, v7;
	v7 =	vor.u32 s31, v2  }
0x100: {  	s6 =	simm.s32 $0x20;
	v20 =	vor.u32 s30, v2;
	[tilespmem:v24+s18+$0x0] =	vst.idx.add.f32.msk vm1, v4;
	v4 =	vmul.f32 v9, v12  }
0x101: {  	[tilespmem:v13+s18+$0x0] =	vst.idx.add.f32.msk vm2, v6;
	v12 =	vor.u32 s6, v2  }
0x102: {  	[tilespmem:v18+s18+$0x0] =	vst.idx.add.f32.msk vm3, v4;
	v4 =	vshll.u32 v7, $0x4  }
0x103: {  	v9 =	vld.idx.msk [tilespmem:v26+s22+$0x0], $0xffff;
	v15 =	vor.u32 v3, v4  }
0x104: {  	v4 =	vsub.s32 v10, v0;
	v10 =	vshll.u32 v12, $0x4;
	v6 =	vld.idx.msk [tilespmem:v7+s22+$0x0], $0xffff  }
0x105: {  	s8 =	simm.s32 $0x28;
	v33 =	vshll.u32 v20, $0x4;
	v32 =	vld.idx.msk [tilespmem:v20+s22+$0x0], $0xffff;
	v10 =	vor.u32 v3, v10  }
0x106: {  	v23 =	vsub.s32 v23, v0;
	v33 =	vor.u32 v3, v33;
	v13 =	vor.u32 s8, v2;
	v22 =	vld.idx.msk [tilespmem:v12+s22+$0x0], $0xffff  }
0x107: {  	s10 =	simm.s32 $0x2C;
	v35 =	vmul.f32 v5, v14;
	s31 =	simm.s32 $0x34;
	vm2 =	vlt.u32 v23, $0x1000;
	v29 =	vshll.u32 v13, $0x4;
	v7 =	vld.idx.msk [tilespmem:v7+s21+$0x0], $0xffff  }
0x108: {  	v24 =	vor.u32 s31, v2;
	v18 =	vor.u32 s10, v2;
	v29 =	vor.u32 v3, v29;
	v15 =	vld.idx.msk [tilespmem:v15+s23+$0x0], $0xffff  }
0x109: {  	v5 =	vshll.u32 v24, $0x4;
	vm3 =	vmmov vm2;
	v12 =	vld.idx.msk [tilespmem:v12+s21+$0x0], $0xffff;
	v6 =	vsub.s32 v6, v0  }
0x10a: {  	v30 =	vshll.u32 v18, $0x4;
	v36 =	vld.idx.msk [tilespmem:v10+s23+$0x0], $0xffff;
	vm1 =	vlt.u32 v6, $0x1000;
	v6 =	vshll.u32 v6, $0x2  }
0x10b: {  	vm0 =	vlt.u32 v4, $0x1000;
	v4 =	vshll.u32 v4, $0x2;
	v27 =	vld.idx.msk [tilespmem:v13+s22+$0x0], $0xffff;
	v6 =	vor.u32 v3, v6  }
0x10c: {  	v30 =	vor.u32 v3, v30;
	v4 =	vor.u32 v3, v4;
	v63 =	vld.idx.msk [tilespmem:v13+s21+$0x0], $0xffff;
	v10 =	vshll.u32 v26, $0x4  }
0x10d: {  	v34 =	vld.idx.msk [tilespmem:v24+s22+$0x0], $0xffff;
	v7 =	vmul.f32 v15, v7;
	v15 =	vor.u32 v3, v5;
	v5 =	vsub.s32 v25, v0  }
0x10e: {  	v31 =	vld.idx.msk [tilespmem:v18+s22+$0x0], $0xffff;
	v25 =	vor.u32 v3, v10;
	v10 =	vshll.u32 v23, $0x2;
	vm4 =	vlt.u32 v5, $0x1000  }
0x10f: {  	v29 =	vld.idx.msk [tilespmem:v29+s23+$0x0], $0xffff;
	v5 =	vshll.u32 v5, $0x2;
	v23 =	vor.u32 v3, v10;
	v12 =	vmul.f32 v36, v12  }
0x110: {  	v5 =	vor.u32 v3, v5;
	vm2 =	vmmov vm4;
	[tilespmem:v6+s18+$0x0] =	vst.idx.add.f32.msk vm1, v7;
	v7 =	vmul.f32 v11, v16  }
0x111: {  	v14 =	vld.idx.msk [tilespmem:v30+s23+$0x0], $0xffff;
	v6 =	vmul.f32 v21, v17;
	v11 =	vsub.s32 v9, v0;
	vm1 =	vmmov vm0  }
0x112: {  	v16 =	vsub.s32 v19, v0;
	v17 =	vsub.s32 v22, v0;
	v21 =	vsub.s32 v27, v0;
	v22 =	vld.idx.msk [tilespmem:v18+s21+$0x0], $0xffff  }
0x113: {  	v18 =	vsub.s32 v32, v0;
	vm0 =	vlt.u32 v11, $0x1000;
	v10 =	vld.idx.msk [tilespmem:v15+s23+$0x0], $0xffff;
	v15 =	vshll.u32 v11, $0x2  }
0x114: {  	v9 =	vld.idx.msk [tilespmem:v33+s23+$0x0], $0xffff;
	v19 =	vshll.u32 v16, $0x2;
	vm8 =	vlt.u32 v17, $0x1000;
	v17 =	vshll.u32 v17, $0x2  }
0x115: {  	v27 =	vld.idx.msk [tilespmem:v8+s21+$0x0], $0xffff;
	vm6 =	vlt.u32 v16, $0x1000;
	v8 =	vshll.u32 v21, $0x2;
	vm5 =	vlt.u32 v21, $0x1000  }
0x116: {  	v11 =	vld.idx.msk [tilespmem:v25+s23+$0x0], $0xffff;
	v21 =	vsub.s32 v34, v0;
	vm9 =	vlt.u32 v18, $0x1000;
	v25 =	vor.u32 v3, v17  }
0x117: {  	v16 =	vld.idx.msk [tilespmem:v24+s21+$0x0], $0xffff;
	v19 =	vor.u32 v3, v19;
	v17 =	vor.u32 v3, v8;
	v8 =	vsub.s32 v31, v0  }
0x118: {  	v13 =	vor.u32 v3, v15;
	v15 =	vld.idx.msk [tilespmem:v20+s21+$0x0], $0xffff;
	vm7 =	vlt.u32 v8, $0x1000;
	v8 =	vshll.u32 v8, $0x2  }
0x119: {  	v24 =	vshll.u32 v21, $0x2;
	vm4 =	vlt.u32 v21, $0x1000;
	[tilespmem:v23+s18+$0x0] =	vst.idx.add.f32.msk vm3, v35;
	v20 =	vor.u32 v3, v8  }
0x11a: {  	v21 =	vor.u32 v3, v24;
	v8 =	vshll.u32 v18, $0x2;
	v18 =	vld.idx.msk [tilespmem:v26+s21+$0x0], $0xffff;
	v24 =	vmul.f32 v28, v27  }
0x11b: {  	s0 =	simm.s32 $0x8;
	s5 =	simm.s32 $0x5C;
	vm3 =	vmmov vm9;
	v23 =	vmul.f32 v29, v63;
	v8 =	vor.u32 v3, v8;
	[tilespmem:v25+s18+$0x0] =	vst.idx.add.f32.msk vm8, v12  }
.LBB2_10:
0x11c: {  	s1 =	sadd.s32 $0xFFFFFFE8, s5;
	s6 =	sadd.s32 $0xFFFFFFFC, s5;
	v12 =	vor.u32 s5, v2;
	s0 =	sadd.s32 $0x8, s0;
	[tilespmem:v19+s18+$0x0] =	vst.idx.add.f32.msk vm6, v24;
	v14 =	vmul.f32 v14, v22  }
0x11d: {  	s8 =	sadd.s32 $0xFFFFFFF0, s5;
	v22 =	vor.u32 s1, v2;
	s1 =	sadd.s32 $0xFFFFFFEC, s5;
	v19 =	vor.u32 s6, v2;
	v24 =	vshll.u32 v12, $0x4;
	p0 =	slt.u32 s0, $0x1F8;
	[tilespmem:v17+s18+$0x0] =	vst.idx.add.f32.msk vm5, v23  }
0x11e: {  	s6 =	sadd.s32 $0xFFFFFFE4, s5;
	v25 =	vor.u32 s8, v2;
	s8 =	sadd.s32 $0xFFFFFFF8, s5;
	v17 =	vshll.u32 v22, $0x4;
	v23 =	vor.u32 s1, v2;
	s1 =	sadd.s32 $0xFFFFFFF4, s5;
	[tilespmem:v20+s18+$0x0] =	vst.idx.add.f32.msk vm7, v14  }
0x11f: {  	v26 =	vor.u32 s6, v2;
	v28 =	vor.u32 s8, v2;
	v27 =	vor.u32 s1, v2;
	[tilespmem:v5+s18+$0x0] =	vst.idx.add.f32.msk vm2, v7;
	v5 =	vmovc v21  }
0x120: {  	v20 =	vshll.u32 v25, $0x4;
	v7 =	vshll.u32 v26, $0x4;
	v14 =	vshll.u32 v23, $0x4;
	[tilespmem:v4+s18+$0x0] =	vst.idx.add.f32.msk vm1, v6;
	v4 =	vmovc v13  }
0x121: {  	v21 =	vshll.u32 v19, $0x4;
	v6 =	vshll.u32 v27, $0x4;
	v13 =	vshll.u32 v28, $0x4;
	v29 =	vld.idx.msk [tilespmem:v12+s22+$0x0], $0xffff  }
0x122: {  	v17 =	vor.u32 v3, v17;
	v30 =	vor.u32 v3, v7;
	v21 =	vor.u32 v3, v21;
	v31 =	vld.idx.msk [tilespmem:v19+s22+$0x0], $0xffff  }
0x123: {  	v20 =	vor.u32 v3, v20;
	v14 =	vor.u32 v3, v14;
	v33 =	vor.u32 v3, v6;
	v32 =	vld.idx.msk [tilespmem:v22+s22+$0x0], $0xffff  }
0x124: {  	v36 =	vmul.f32 v9, v15;
	v24 =	vor.u32 v3, v24;
	v35 =	vor.u32 v3, v13;
	v34 =	vld.idx.msk [tilespmem:v26+s22+$0x0], $0xffff  }
0x125: {  	v7 =	vmul.f32 v10, v16;
	vm1 =	vmmov vm0;
	v6 =	vmul.f32 v11, v18;
	v9 =	vld.idx.msk [tilespmem:v23+s22+$0x0], $0xffff  }
0x126: {  	vm2 =	vmmov vm4;
	v10 =	vld.idx.msk [tilespmem:v19+s21+$0x0], $0xffff  }
0x127: {  	v13 =	vsub.s32 v29, v0;
	v11 =	vld.idx.msk [tilespmem:v21+s23+$0x0], $0xffff  }
0x128: {  	v16 =	vsub.s32 v31, v0;
	vm0 =	vlt.u32 v13, $0x1000;
	v13 =	vshll.u32 v13, $0x2;
	v15 =	vld.idx.msk [tilespmem:v25+s22+$0x0], $0xffff  }
0x129: {  	v18 =	vsub.s32 v32, v0;
	vm4 =	vlt.u32 v16, $0x1000;
	v16 =	vshll.u32 v16, $0x2;
	v21 =	vld.idx.msk [tilespmem:v27+s22+$0x0], $0xffff  }
0x12a: {  	v19 =	vsub.s32 v34, v0;
	v29 =	vshll.u32 v18, $0x2;
	v16 =	vor.u32 v3, v16;
	v31 =	vld.idx.msk [tilespmem:v28+s22+$0x0], $0xffff  }
0x12b: {  	vm8 =	vlt.u32 v19, $0x1000;
	v19 =	vshll.u32 v19, $0x2;
	v9 =	vsub.s32 v9, v0;
	v30 =	vld.idx.msk [tilespmem:v30+s23+$0x0], $0xffff  }
0x12c: {  	vm6 =	vlt.u32 v18, $0x1000;
	v32 =	vor.u32 v3, v19;
	v34 =	vld.idx.msk [tilespmem:v17+s23+$0x0], $0xffff;
	v17 =	vshll.u32 v9, $0x2  }
0x12d: {  	v19 =	vor.u32 v3, v29;
	vm5 =	vlt.u32 v9, $0x1000;
	v9 =	vmul.f32 v11, v10;
	v29 =	vld.idx.msk [tilespmem:v14+s23+$0x0], $0xffff  }
0x12e: {  	v13 =	vor.u32 v3, v13;
	v17 =	vor.u32 v3, v17;
	v10 =	vsub.s32 v15, v0;
	v14 =	vld.idx.msk [tilespmem:v20+s23+$0x0], $0xffff  }
0x12f: {  	vm7 =	vlt.u32 v10, $0x1000;
	v10 =	vshll.u32 v10, $0x2;
	v11 =	vsub.s32 v21, v0;
	[tilespmem:v16+s18+$0x0] =	vst.idx.add.f32.msk vm4, v9  }
0x130: {  	v20 =	vor.u32 v3, v10;
	v10 =	vshll.u32 v11, $0x2;
	v15 =	vsub.s32 v31, v0;
	v9 =	vld.idx.msk [tilespmem:v33+s23+$0x0], $0xffff  }
0x131: {  	vm9 =	vlt.u32 v11, $0x1000;
	v31 =	vor.u32 v3, v10;
	v11 =	vshll.u32 v15, $0x2;
	v10 =	vld.idx.msk [tilespmem:v35+s23+$0x0], $0xffff  }
0x132: {  	vm4 =	vlt.u32 v15, $0x1000;
	v21 =	vor.u32 v3, v11;
	v11 =	vld.idx.msk [tilespmem:v24+s23+$0x0], $0xffff  }
0x133: {  	v18 =	vld.idx.msk [tilespmem:v26+s21+$0x0], $0xffff  }
0x134: {  	v24 =	vld.idx.msk [tilespmem:v22+s21+$0x0], $0xffff  }
0x135: {  	v23 =	vld.idx.msk [tilespmem:v23+s21+$0x0], $0xffff  }
0x136: {  	v22 =	vld.idx.msk [tilespmem:v25+s21+$0x0], $0xffff  }
.Ltmp9:
0x137: {  	v15 =	vld.idx.msk [tilespmem:v27+s21+$0x0], $0xffff;
	(pc) =	sbr.rel @p0 .LBB2_10-.Ltmp9, $4  }
0x138: {  	v16 =	vld.idx.msk [tilespmem:v28+s21+$0x0], $0xffff  }
0x139: {  	v25 =	vmul.f32 v30, v18;
	v18 =	vld.idx.msk [tilespmem:v12+s21+$0x0], $0xffff  }
0x13a: {  	v24 =	vmul.f32 v34, v24;
	[tilespmem:v8+s18+$0x0] =	vst.idx.add.f32.msk vm3, v36;
	v8 =	vmov v31;
	vm3 =	vmmov vm9  }
0x13b: {  	s5 =	sadd.s32 $0x20, s5;
	v23 =	vmul.f32 v29, v23;
	[tilespmem:v32+s18+$0x0] =	vst.idx.add.f32.msk vm8, v25  }
0x13c: {  	_ =	sdelay $0x4  }
0x13d: {  	[tilespmem:v19+s18+$0x0] =	vst.idx.add.f32.msk vm6, v24;
	vm4 =	vmmov vm4  }
0x13e: {  	vm0 =	vmmov vm0;
	[tilespmem:v5+s18+$0x0] =	vst.idx.add.f32.msk vm2, v7  }
0x13f: {  	v12 =	vmul.f32 v14, v22;
	[tilespmem:v4+s18+$0x0] =	vst.idx.add.f32.msk vm1, v6  }
.Ltmp10:
0x140: {  	v5 =	vmul.f32 v9, v15;
	[tilespmem:v17+s18+$0x0] =	vst.idx.add.f32.msk vm5, v23;
	(pc) =	sbr.rel .LBB2_12-.Ltmp10, $4  }
0x141: {  	v4 =	vmul.f32 v10, v16;
	[tilespmem:v20+s18+$0x0] =	vst.idx.add.f32.msk vm7, v12  }
0x142: {  	v63 =	vmul.f32 v11, v18;
	[tilespmem:v8+s18+$0x0] =	vst.idx.add.f32.msk vm3, v5  }
0x143: {  	[tilespmem:v21+s18+$0x0] =	vst.idx.add.f32.msk vm4, v4  }
0x144: {  	[tilespmem:v13+s18+$0x0] =	vst.idx.add.f32.msk vm0, v63  }
.LBB2_14:
0x145: {  	_ =	sfence.sel $0x180000  }
0x146: {  	[bflag:$0x0] =	sbarrier.arrive $0xFFFF  }
0x147: {  	_ =	strace $0x9000004D  }
0x148: {  	s0 =	stileid.u32;
	[bflag:$0x2] =	sbarrier.arrive $0xFFFF  }
0x149: {  	p0 =	sne.s32 s0, $0x0;
	s0 =	rddreg [dreg:$0x5]  }
0x14a: {  	s0 =	sadd.s32 @!p0 $0x100000, s0  }
0x14b: {  	[sflag:s0] =	ssyncadd.tile.s32 @!p0 $0x1;
	_ =	shalt  }
.Lfunc_end2:
_tile_overlayer_lowered:
.L_overlay_start_2:
0x14c: {  	(tag) =	ssettag $0x2  }
0x14d: {  	s0 =	rddreg [dreg:$0x0];
	s2 =	stileid.u32  }
0x14e: {  	s1 =	rddreg [dreg:$0x1];
	p0 =	sne.s32 s2, $0x0  }
0x14f: {  	s3 =	rddreg [dreg:$0x2];
	[bflag:$0x3] =	sbarrier.arrive $0xFFFF;
	s2 =	simm.s32 @!p0 $0x1C09  }
0x150: {  	[timem:s3], [sflag:s2] =	dma.local @!p0 [hbm:s0], s1  }
0x151: {  	s0 =	simm.s32 @!p0 $0x9  }
0x152: {  	_ =	swait.ge @!p0 [sflag:s0], s1  }
0x153: {  	s1 =	ssub.s32 @!p0 $0x0, s1;
	[sflag:s0] =	ssyncset.done @!p0 $0x0  }
0x154: {  	[sflag:s0] =	ssyncadd.s32 @!p0 s1  }
0x155: {  	[bflag:$0x3] =	sbarrier.arrive $0xFFFF  }
0x156: {  	_ =	shalt  }

</sc_bundles>
